<compile_context>
chip_gen: v7x
topology: tpu7x:2x2x1
jax: 0.10.2.dev20260603
libtpu: 0.0.44.dev20260713+nightly
codegen_flags: <defaults>
</compile_context>

<pallas_src>
import functools

import jax
import jax.numpy as jnp
from jax import lax
from jax.experimental import pallas as pl
from jax.experimental.pallas import tpu as pltpu
from jax.experimental.pallas import tpu_sc as plsc

BATCH = 4096
N_WORDS = 50
EMB_DIM = 64
VOCAB = 1000000
NUM_CORES = 2
NUM_SUBCORES = 16
NW = NUM_CORES * NUM_SUBCORES
CHUNK = 128

_mesh = plsc.VectorSubcoreMesh(core_axis_name="c", subcore_axis_name="s")

@functools.partial(
    pl.kernel,
    mesh=_mesh,
    out_type=jax.ShapeDtypeStruct((N_WORDS, EMB_DIM, BATCH), jnp.float32),
    scratch_types=[
        pltpu.VMEM((N_WORDS, CHUNK), jnp.int32),
        pltpu.VMEM((N_WORDS, CHUNK), jnp.int32),
        pltpu.VMEM((2, CHUNK, 2 * EMB_DIM), jnp.float32),
        pltpu.VMEM((2, EMB_DIM, CHUNK), jnp.float32),
        pltpu.SemaphoreType.DMA,
        pltpu.SemaphoreType.DMA,
        pltpu.SemaphoreType.DMA,
        pltpu.SemaphoreType.DMA,
    ],
    compiler_params=pltpu.CompilerParams(
        use_tc_tiling_on_sc=True, needs_layout_passes=False),
)
def _emb_lookup(idx2_hbm, poff_hbm, table_hbm, out_hbm,
                idx2_v, poff_v, rows2_v, tiles_v, gsem0, gsem1, wsem0, wsem1):
    c_ax = lax.axis_index("c")
    s_ax = lax.axis_index("s")
    wid = s_ax * NUM_CORES + c_ax
    pltpu.sync_copy(idx2_hbm.at[wid], idx2_v)
    pltpu.sync_copy(poff_hbm.at[wid], poff_v)
    gsems = (gsem0, gsem1)
    wsems = (wsem0, wsem1)

    def g_desc(n, slot):
        return pltpu.make_async_copy(
            table_hbm.at[idx2_v.at[n]], rows2_v.at[slot], gsems[slot])

    def w_desc(n, slot):
        return pltpu.make_async_copy(
            tiles_v.at[slot],
            out_hbm.at[n, :, pl.ds(wid * CHUNK, CHUNK)],
            wsems[slot])

    lanes = lax.iota(jnp.int32, 16)

    def extract(n, slot):
        rvecs = [16 * g + lanes for g in range(CHUNK // 16)]
        cbases = [poff_v[n, pl.ds(16 * g, 16)] for g in range(CHUNK // 16)]

        @plsc.parallel_loop(0, EMB_DIM, unroll=8)
        def _(f):
            for g in range(CHUNK // 16):
                val = plsc.load_gather(rows2_v.at[slot], [rvecs[g], cbases[g] + f])
                tiles_v[slot, f, pl.ds(16 * g, 16)] = val

    def step(n, slot):
        @pl.when(n + 1 < N_WORDS)
        def _():
            g_desc(n + 1, 1 - slot).start()
        g_desc(n, slot).wait()

        @pl.when(n >= 2)
        def _():
            w_desc(n - 2, slot).wait()
        extract(n, slot)
        w_desc(n, slot).start()

    g_desc(0, 0).start()

    def body(k, carry):
        step(2 * k, 0)
        step(2 * k + 1, 1)
        return carry

    lax.fori_loop(0, N_WORDS // 2, body, 0)
    w_desc(N_WORDS - 2, 0).wait()
    w_desc(N_WORDS - 1, 1).wait()


def kernel(input_words, embeddings):
    iw = input_words.astype(jnp.int32).reshape(NW, CHUNK, N_WORDS)
    iw = iw.transpose(0, 2, 1)
    idx2 = iw >> 1
    poff = (iw & 1) << 6
    table2 = embeddings.reshape(VOCAB // 2, 2 * EMB_DIM)
    out = _emb_lookup(idx2, poff, table2)
    return out.transpose(2, 0, 1)

# --- scband reference (transcript-rebuilt; emitter-appended) ---
"""Pipeline reference for scband-skip-gram-71983651881467 (READ-ONLY COPY).

The authoritative reference and input builder live on the scoring server;
editing this copy changes nothing except your own understanding.
"""

import jax, jax.numpy as jnp
import numpy as np

VOCAB_SIZE = 1000000
EMBEDDING_DIM = 64
BATCH = 4096
N_WORDS = 50


def setup_inputs(seed: int = 0) -> dict:
    key = jax.random.key(seed)
    k_idx, k_emb = jax.random.split(key)
    input_words = jax.random.randint(k_idx, (BATCH, N_WORDS), 0, VOCAB_SIZE, dtype=jnp.int64 if jax.config.jax_enable_x64 else jnp.int32)
    # Embedding table initialized like nn.Embedding (normal(0, 1))
    embeddings = jax.random.normal(k_emb, (VOCAB_SIZE, EMBEDDING_DIM), dtype=jnp.float32)
    return {"input_words": input_words, "embeddings": embeddings}


def reference(input_words, embeddings):
    # SkipGram.forward: embedding lookup -> (batch, n_words, embedding_dim)
    embedded_vectors = jnp.take(embeddings, input_words, axis=0)
    return embedded_vectors

if __name__ == "__main__":
    import jax
    _d = setup_inputs()
    print(jax.jit(kernel)(*tuple(_d.values())))

</pallas_src>

<mosaic_0001>
#map = affine_map<(d0, d1) -> (0, 0, 0)>
#map1 = affine_map<(d0, d1) -> (0, 0)>
module attributes {stable_mosaic.version = 14 : i64} {
  func.func @_emb_lookup(%arg0: i32, %arg1: i32, %arg2: memref<32x50x128xi32, #tpu.memory_space<hbm>>, %arg3: memref<32x50x128xi32, #tpu.memory_space<hbm>>, %arg4: memref<500000x128xf32, #tpu.memory_space<hbm>>, %arg5: memref<50x64x4096xf32, #tpu.memory_space<hbm>>, %arg6: memref<50x128xi32, #tpu.memory_space<vmem>>, %arg7: memref<50x128xi32, #tpu.memory_space<vmem>>, %arg8: memref<2x128x128xf32, #tpu.memory_space<vmem>>, %arg9: memref<2x64x128xf32, #tpu.memory_space<vmem>>, %arg10: memref<!tpu.dma_semaphore, #tpu.memory_space<semaphore_mem>>, %arg11: memref<!tpu.dma_semaphore, #tpu.memory_space<semaphore_mem>>, %arg12: memref<!tpu.dma_semaphore, #tpu.memory_space<semaphore_mem>>, %arg13: memref<!tpu.dma_semaphore, #tpu.memory_space<semaphore_mem>>) attributes {dimension_semantics = [#tpu.dimension_semantics<core_parallel>, #tpu.dimension_semantics<subcore_parallel>], iteration_bounds = array<i64: 2, 16>, scalar_prefetch = 0 : i64, scratch_operands = 8 : i64, tpu.core_type = #tpu.core_type<sc_vector_subcore>, window_params = [{transform_indices = #map}, {transform_indices = #map}, {transform_indices = #map1}, {transform_indices = #map}]} {
    %mul3A = arith.constant 2 : i32
    %mul3A_0 = arith.muli %arg1, %mul3A : i32
    %add3A = arith.addi %mul3A_0, %arg0 : i32
    "tpu.region"() ({
      %run_scoped3A = tpu.sem_alloc : memref<!tpu.dma_semaphore, #tpu.memory_space<semaphore_mem>>
      %dma_start3A_52 = arith.constant 0 : i32
      %dma_start3A_53 = arith.constant 0 : i32
      %dma_start3A_54 = tpu.memref_slice %arg2[%add3A, %dma_start3A_52, %dma_start3A_53] : memref<32x50x128xi32, #tpu.memory_space<hbm>> -> memref<1x50x128xi32, #tpu.memory_space<hbm>>
      %dma_start3A_55 = tpu.memref_squeeze %dma_start3A_54 : memref<1x50x128xi32, #tpu.memory_space<hbm>> -> memref<50x128xi32, #tpu.memory_space<hbm>>
      %dma_start3A_56 = arith.constant 0 : i32
      %dma_start3A_57 = arith.constant 0 : i32
      %dma_start3A_58 = tpu.memref_slice %arg2[%add3A, %dma_start3A_56, %dma_start3A_57] : memref<32x50x128xi32, #tpu.memory_space<hbm>> -> memref<1x50x128xi32, #tpu.memory_space<hbm>>
      %dma_start3A_59 = tpu.memref_squeeze %dma_start3A_58 : memref<1x50x128xi32, #tpu.memory_space<hbm>> -> memref<50x128xi32, #tpu.memory_space<hbm>>
      tpu.enqueue_dma source(%dma_start3A_59 : memref<50x128xi32, #tpu.memory_space<hbm>>) target(%arg6 : memref<50x128xi32, #tpu.memory_space<vmem>>) target_semaphore(%run_scoped3A : memref<!tpu.dma_semaphore, #tpu.memory_space<semaphore_mem>>)
      %dma_wait3A_60 = arith.constant 0 : i32
      %dma_wait3A_61 = arith.constant 0 : i32
      %dma_wait3A_62 = tpu.memref_slice %arg2[%add3A, %dma_wait3A_60, %dma_wait3A_61] : memref<32x50x128xi32, #tpu.memory_space<hbm>> -> memref<1x50x128xi32, #tpu.memory_space<hbm>>
      %dma_wait3A_63 = tpu.memref_squeeze %dma_wait3A_62 : memref<1x50x128xi32, #tpu.memory_space<hbm>> -> memref<50x128xi32, #tpu.memory_space<hbm>>
      %dma_wait3A_64 = arith.constant 0 : i32
      %dma_wait3A_65 = arith.constant 0 : i32
      %dma_wait3A_66 = tpu.memref_slice %arg2[%add3A, %dma_wait3A_64, %dma_wait3A_65] : memref<32x50x128xi32, #tpu.memory_space<hbm>> -> memref<1x50x128xi32, #tpu.memory_space<hbm>>
      %dma_wait3A_67 = tpu.memref_squeeze %dma_wait3A_66 : memref<1x50x128xi32, #tpu.memory_space<hbm>> -> memref<50x128xi32, #tpu.memory_space<hbm>>
      tpu.wait_dma2 semaphore(%run_scoped3A : memref<!tpu.dma_semaphore, #tpu.memory_space<semaphore_mem>>) src(%dma_wait3A_67 : memref<50x128xi32, #tpu.memory_space<hbm>>) dst(%arg6 : memref<50x128xi32, #tpu.memory_space<vmem>>)
      tpu.yield
    }) : () -> ()
    "tpu.region"() ({
      %run_scoped3A = tpu.sem_alloc : memref<!tpu.dma_semaphore, #tpu.memory_space<semaphore_mem>>
      %dma_start3A_52 = arith.constant 0 : i32
      %dma_start3A_53 = arith.constant 0 : i32
      %dma_start3A_54 = tpu.memref_slice %arg3[%add3A, %dma_start3A_52, %dma_start3A_53] : memref<32x50x128xi32, #tpu.memory_space<hbm>> -> memref<1x50x128xi32, #tpu.memory_space<hbm>>
      %dma_start3A_55 = tpu.memref_squeeze %dma_start3A_54 : memref<1x50x128xi32, #tpu.memory_space<hbm>> -> memref<50x128xi32, #tpu.memory_space<hbm>>
      %dma_start3A_56 = arith.constant 0 : i32
      %dma_start3A_57 = arith.constant 0 : i32
      %dma_start3A_58 = tpu.memref_slice %arg3[%add3A, %dma_start3A_56, %dma_start3A_57] : memref<32x50x128xi32, #tpu.memory_space<hbm>> -> memref<1x50x128xi32, #tpu.memory_space<hbm>>
      %dma_start3A_59 = tpu.memref_squeeze %dma_start3A_58 : memref<1x50x128xi32, #tpu.memory_space<hbm>> -> memref<50x128xi32, #tpu.memory_space<hbm>>
      tpu.enqueue_dma source(%dma_start3A_59 : memref<50x128xi32, #tpu.memory_space<hbm>>) target(%arg7 : memref<50x128xi32, #tpu.memory_space<vmem>>) target_semaphore(%run_scoped3A : memref<!tpu.dma_semaphore, #tpu.memory_space<semaphore_mem>>)
      %dma_wait3A_60 = arith.constant 0 : i32
      %dma_wait3A_61 = arith.constant 0 : i32
      %dma_wait3A_62 = tpu.memref_slice %arg3[%add3A, %dma_wait3A_60, %dma_wait3A_61] : memref<32x50x128xi32, #tpu.memory_space<hbm>> -> memref<1x50x128xi32, #tpu.memory_space<hbm>>
      %dma_wait3A_63 = tpu.memref_squeeze %dma_wait3A_62 : memref<1x50x128xi32, #tpu.memory_space<hbm>> -> memref<50x128xi32, #tpu.memory_space<hbm>>
      %dma_wait3A_64 = arith.constant 0 : i32
      %dma_wait3A_65 = arith.constant 0 : i32
      %dma_wait3A_66 = tpu.memref_slice %arg3[%add3A, %dma_wait3A_64, %dma_wait3A_65] : memref<32x50x128xi32, #tpu.memory_space<hbm>> -> memref<1x50x128xi32, #tpu.memory_space<hbm>>
      %dma_wait3A_67 = tpu.memref_squeeze %dma_wait3A_66 : memref<1x50x128xi32, #tpu.memory_space<hbm>> -> memref<50x128xi32, #tpu.memory_space<hbm>>
      tpu.wait_dma2 semaphore(%run_scoped3A : memref<!tpu.dma_semaphore, #tpu.memory_space<semaphore_mem>>) src(%dma_wait3A_67 : memref<50x128xi32, #tpu.memory_space<hbm>>) dst(%arg7 : memref<50x128xi32, #tpu.memory_space<vmem>>)
      tpu.yield
    }) : () -> ()
    %iota3A = tpu.iota {dimensions = array<i32: 0>} : vector<16xi32>
    %dma_start3A = arith.constant 0 : i32
    %dma_start3A_1 = arith.constant 0 : i32
    %dma_start3A_2 = arith.constant 0 : i32
    %dma_start3A_3 = arith.constant 0 : i32
    %dma_start3A_4 = tpu.memref_slice %arg8[%dma_start3A_1, %dma_start3A_2, %dma_start3A_3] : memref<2x128x128xf32, #tpu.memory_space<vmem>> -> memref<1x128x128xf32, #tpu.memory_space<vmem>>
    %dma_start3A_5 = tpu.memref_squeeze %dma_start3A_4 : memref<1x128x128xf32, #tpu.memory_space<vmem>> -> memref<128x128xf32, #tpu.memory_space<vmem>>
    %dma_start3A_6 = arith.constant 0 : i32
    %dma_start3A_7 = tpu.memref_slice %arg6[%dma_start3A, %dma_start3A_6] : memref<50x128xi32, #tpu.memory_space<vmem>> -> memref<1x128xi32, #tpu.memory_space<vmem>>
    %dma_start3A_8 = tpu.memref_squeeze %dma_start3A_7 : memref<1x128xi32, #tpu.memory_space<vmem>> -> memref<128xi32, #tpu.memory_space<vmem>>
    %dma_start3A_9 = arith.constant 0 : i32
    %dma_start3A_10 = arith.constant 0 : i32
    %dma_start3A_11 = tpu.memref_slice %arg4[%dma_start3A_9, %dma_start3A_10] : memref<500000x128xf32, #tpu.memory_space<hbm>> -> memref<500000x128xf32, #tpu.memory_space<hbm>>
    tpu.enqueue_indirect_dma source(%dma_start3A_11 : memref<500000x128xf32, #tpu.memory_space<hbm>>) target(%dma_start3A_5 : memref<128x128xf32, #tpu.memory_space<vmem>>) offsets(%dma_start3A_8 : memref<128xi32, #tpu.memory_space<vmem>>) semaphore(%arg10 : memref<!tpu.dma_semaphore, #tpu.memory_space<semaphore_mem>>)
    %scan3A = arith.constant 0 : i32
    %scan3A_12 = arith.constant 0 : i32
    %scan3A_13 = arith.constant 25 : i32
    %scan3A_14 = arith.addi %scan3A_12, %scan3A_13 : i32
    %scan3A_15 = arith.constant 1 : i32
    scf.for %scan3A_52 = %scan3A_12 to %scan3A_14 step %scan3A_15  : i32 {
      %mul3A_53 = arith.constant 2 : i32
      %mul3A_54 = arith.muli %mul3A_53, %scan3A_52 : i32
      %add3A_55 = arith.constant 1 : i32
      %add3A_56 = arith.addi %mul3A_54, %add3A_55 : i32
      %lt3A = arith.constant 50 : i32
      %lt3A_57 = arith.cmpi slt, %add3A_56, %lt3A : i32
      %convert_element_type3A = arith.extui %lt3A_57 : i1 to i32
      %cond3A = arith.constant 0 : i32
      %cond3A_58 = arith.cmpi ne, %convert_element_type3A, %cond3A : i32
      scf.if %cond3A_58 {
        %add3A_235 = arith.constant 1 : i32
        %add3A_236 = arith.addi %mul3A_54, %add3A_235 : i32
        %dma_start3A_237 = arith.constant 1 : i32
        %dma_start3A_238 = arith.constant 0 : i32
        %dma_start3A_239 = arith.constant 0 : i32
        %dma_start3A_240 = tpu.memref_slice %arg8[%dma_start3A_237, %dma_start3A_238, %dma_start3A_239] : memref<2x128x128xf32, #tpu.memory_space<vmem>> -> memref<1x128x128xf32, #tpu.memory_space<vmem>>
        %dma_start3A_241 = tpu.memref_squeeze %dma_start3A_240 : memref<1x128x128xf32, #tpu.memory_space<vmem>> -> memref<128x128xf32, #tpu.memory_space<vmem>>
        %dma_start3A_242 = arith.constant 0 : i32
        %dma_start3A_243 = tpu.memref_slice %arg6[%add3A_236, %dma_start3A_242] : memref<50x128xi32, #tpu.memory_space<vmem>> -> memref<1x128xi32, #tpu.memory_space<vmem>>
        %dma_start3A_244 = tpu.memref_squeeze %dma_start3A_243 : memref<1x128xi32, #tpu.memory_space<vmem>> -> memref<128xi32, #tpu.memory_space<vmem>>
        %dma_start3A_245 = arith.constant 0 : i32
        %dma_start3A_246 = arith.constant 0 : i32
        %dma_start3A_247 = tpu.memref_slice %arg4[%dma_start3A_245, %dma_start3A_246] : memref<500000x128xf32, #tpu.memory_space<hbm>> -> memref<500000x128xf32, #tpu.memory_space<hbm>>
        tpu.enqueue_indirect_dma source(%dma_start3A_247 : memref<500000x128xf32, #tpu.memory_space<hbm>>) target(%dma_start3A_241 : memref<128x128xf32, #tpu.memory_space<vmem>>) offsets(%dma_start3A_244 : memref<128xi32, #tpu.memory_space<vmem>>) semaphore(%arg11 : memref<!tpu.dma_semaphore, #tpu.memory_space<semaphore_mem>>)
      } else {
      }
      %dma_wait3A_59 = arith.constant 0 : i32
      %dma_wait3A_60 = arith.constant 0 : i32
      %dma_wait3A_61 = arith.constant 0 : i32
      %dma_wait3A_62 = tpu.memref_slice %arg8[%dma_wait3A_59, %dma_wait3A_60, %dma_wait3A_61] : memref<2x128x128xf32, #tpu.memory_space<vmem>> -> memref<1x128x128xf32, #tpu.memory_space<vmem>>
      %dma_wait3A_63 = tpu.memref_squeeze %dma_wait3A_62 : memref<1x128x128xf32, #tpu.memory_space<vmem>> -> memref<128x128xf32, #tpu.memory_space<vmem>>
      %dma_wait3A_64 = arith.constant 0 : i32
      %dma_wait3A_65 = tpu.memref_slice %arg6[%mul3A_54, %dma_wait3A_64] : memref<50x128xi32, #tpu.memory_space<vmem>> -> memref<1x128xi32, #tpu.memory_space<vmem>>
      %dma_wait3A_66 = tpu.memref_squeeze %dma_wait3A_65 : memref<1x128xi32, #tpu.memory_space<vmem>> -> memref<128xi32, #tpu.memory_space<vmem>>
      %dma_wait3A_67 = arith.constant 0 : i32
      %dma_wait3A_68 = arith.constant 0 : i32
      %dma_wait3A_69 = tpu.memref_slice %arg4[%dma_wait3A_67, %dma_wait3A_68] : memref<500000x128xf32, #tpu.memory_space<hbm>> -> memref<500000x128xf32, #tpu.memory_space<hbm>>
      tpu.wait_indirect_dma semaphore(%arg10 : memref<!tpu.dma_semaphore, #tpu.memory_space<semaphore_mem>>) src(%dma_wait3A_69 : memref<500000x128xf32, #tpu.memory_space<hbm>>) dst(%dma_wait3A_63 : memref<128x128xf32, #tpu.memory_space<vmem>>)
      %ge3A = arith.constant 2 : i32
      %ge3A_70 = arith.cmpi sge, %mul3A_54, %ge3A : i32
      %convert_element_type3A_71 = arith.extui %ge3A_70 : i1 to i32
      %cond3A_72 = arith.constant 0 : i32
      %cond3A_73 = arith.cmpi ne, %convert_element_type3A_71, %cond3A_72 : i32
      scf.if %cond3A_73 {
        %sub3A = arith.constant 2 : i32
        %sub3A_235 = arith.subi %mul3A_54, %sub3A : i32
        %mul3A_236 = arith.constant 128 : i32
        %mul3A_237 = arith.muli %add3A, %mul3A_236 : i32
        %dma_wait3A_238 = arith.constant 0 : i32
        %dma_wait3A_239 = arith.constant 0 : i32
        %dma_wait3A_240 = arith.constant 0 : i32
        %dma_wait3A_241 = tpu.memref_slice %arg9[%dma_wait3A_238, %dma_wait3A_239, %dma_wait3A_240] : memref<2x64x128xf32, #tpu.memory_space<vmem>> -> memref<1x64x128xf32, #tpu.memory_space<vmem>>
        %dma_wait3A_242 = tpu.memref_squeeze %dma_wait3A_241 : memref<1x64x128xf32, #tpu.memory_space<vmem>> -> memref<64x128xf32, #tpu.memory_space<vmem>>
        %dma_wait3A_243 = arith.constant 0 : i32
        %dma_wait3A_244 = tpu.memref_slice %arg5[%sub3A_235, %dma_wait3A_243, %mul3A_237] : memref<50x64x4096xf32, #tpu.memory_space<hbm>> -> memref<1x64x128xf32, #tpu.memory_space<hbm>>
        %dma_wait3A_245 = tpu.memref_squeeze %dma_wait3A_244 : memref<1x64x128xf32, #tpu.memory_space<hbm>> -> memref<64x128xf32, #tpu.memory_space<hbm>>
        %dma_wait3A_246 = arith.constant 0 : i32
        %dma_wait3A_247 = tpu.memref_slice %arg5[%sub3A_235, %dma_wait3A_246, %mul3A_237] : memref<50x64x4096xf32, #tpu.memory_space<hbm>> -> memref<1x64x128xf32, #tpu.memory_space<hbm>>
        %dma_wait3A_248 = tpu.memref_squeeze %dma_wait3A_247 : memref<1x64x128xf32, #tpu.memory_space<hbm>> -> memref<64x128xf32, #tpu.memory_space<hbm>>
        %dma_wait3A_249 = arith.constant 0 : i32
        %dma_wait3A_250 = arith.constant 0 : i32
        %dma_wait3A_251 = tpu.memref_slice %arg9[%dma_wait3A_238, %dma_wait3A_249, %dma_wait3A_250] : memref<2x64x128xf32, #tpu.memory_space<vmem>> -> memref<1x64x128xf32, #tpu.memory_space<vmem>>
        %dma_wait3A_252 = tpu.memref_squeeze %dma_wait3A_251 : memref<1x64x128xf32, #tpu.memory_space<vmem>> -> memref<64x128xf32, #tpu.memory_space<vmem>>
        tpu.wait_dma2 semaphore(%arg12 : memref<!tpu.dma_semaphore, #tpu.memory_space<semaphore_mem>>) src(%dma_wait3A_252 : memref<64x128xf32, #tpu.memory_space<vmem>>) dst(%dma_wait3A_248 : memref<64x128xf32, #tpu.memory_space<hbm>>)
      } else {
      }
      %add3A_74 = arith.constant 0 : i32
      %add3A_75 = vector.broadcast %add3A_74 : i32 to vector<16xi32>
      %add3A_76 = arith.addi %add3A_75, %iota3A : vector<16xi32>
      %add3A_77 = arith.constant 16 : i32
      %add3A_78 = vector.broadcast %add3A_77 : i32 to vector<16xi32>
      %add3A_79 = arith.addi %add3A_78, %iota3A : vector<16xi32>
      %add3A_80 = arith.constant 32 : i32
      %add3A_81 = vector.broadcast %add3A_80 : i32 to vector<16xi32>
      %add3A_82 = arith.addi %add3A_81, %iota3A : vector<16xi32>
      %add3A_83 = arith.constant 48 : i32
      %add3A_84 = vector.broadcast %add3A_83 : i32 to vector<16xi32>
      %add3A_85 = arith.addi %add3A_84, %iota3A : vector<16xi32>
      %add3A_86 = arith.constant 64 : i32
      %add3A_87 = vector.broadcast %add3A_86 : i32 to vector<16xi32>
      %add3A_88 = arith.addi %add3A_87, %iota3A : vector<16xi32>
      %add3A_89 = arith.constant 80 : i32
      %add3A_90 = vector.broadcast %add3A_89 : i32 to vector<16xi32>
      %add3A_91 = arith.addi %add3A_90, %iota3A : vector<16xi32>
      %add3A_92 = arith.constant 96 : i32
      %add3A_93 = vector.broadcast %add3A_92 : i32 to vector<16xi32>
      %add3A_94 = arith.addi %add3A_93, %iota3A : vector<16xi32>
      %add3A_95 = arith.constant 112 : i32
      %add3A_96 = vector.broadcast %add3A_95 : i32 to vector<16xi32>
      %add3A_97 = arith.addi %add3A_96, %iota3A : vector<16xi32>
      %get3A = arith.index_cast %mul3A_54 : i32 to index
      %get3A_98 = arith.constant 0 : index
      %get3A_99 = tpu.vector_load %arg7[%get3A, %get3A_98] {strides = array<i32>} : memref<50x128xi32, #tpu.memory_space<vmem>>, vector<16xi32>,
      %get3A_100 = arith.index_cast %mul3A_54 : i32 to index
      %get3A_101 = arith.constant 16 : index
      %get3A_102 = tpu.vector_load %arg7[%get3A_100, %get3A_101] {strides = array<i32>} : memref<50x128xi32, #tpu.memory_space<vmem>>, vector<16xi32>,
      %get3A_103 = arith.index_cast %mul3A_54 : i32 to index
      %get3A_104 = arith.constant 32 : index
      %get3A_105 = tpu.vector_load %arg7[%get3A_103, %get3A_104] {strides = array<i32>} : memref<50x128xi32, #tpu.memory_space<vmem>>, vector<16xi32>,
      %get3A_106 = arith.index_cast %mul3A_54 : i32 to index
      %get3A_107 = arith.constant 48 : index
      %get3A_108 = tpu.vector_load %arg7[%get3A_106, %get3A_107] {strides = array<i32>} : memref<50x128xi32, #tpu.memory_space<vmem>>, vector<16xi32>,
      %get3A_109 = arith.index_cast %mul3A_54 : i32 to index
      %get3A_110 = arith.constant 64 : index
      %get3A_111 = tpu.vector_load %arg7[%get3A_109, %get3A_110] {strides = array<i32>} : memref<50x128xi32, #tpu.memory_space<vmem>>, vector<16xi32>,
      %get3A_112 = arith.index_cast %mul3A_54 : i32 to index
      %get3A_113 = arith.constant 80 : index
      %get3A_114 = tpu.vector_load %arg7[%get3A_112, %get3A_113] {strides = array<i32>} : memref<50x128xi32, #tpu.memory_space<vmem>>, vector<16xi32>,
      %get3A_115 = arith.index_cast %mul3A_54 : i32 to index
      %get3A_116 = arith.constant 96 : index
      %get3A_117 = tpu.vector_load %arg7[%get3A_115, %get3A_116] {strides = array<i32>} : memref<50x128xi32, #tpu.memory_space<vmem>>, vector<16xi32>,
      %get3A_118 = arith.index_cast %mul3A_54 : i32 to index
      %get3A_119 = arith.constant 112 : index
      %get3A_120 = tpu.vector_load %arg7[%get3A_118, %get3A_119] {strides = array<i32>} : memref<50x128xi32, #tpu.memory_space<vmem>>, vector<16xi32>,
      %parallel_loop3A = arith.constant 0 : i32
      %parallel_loop3A_121 = arith.constant 64 : i32
      %parallel_loop3A_122 = arith.constant 1 : i32
      scf.for %parallel_loop3A_235 = %parallel_loop3A to %parallel_loop3A_121 step %parallel_loop3A_122  : i32 {
        %parallel_loop3A_236 = vector.broadcast %parallel_loop3A_235 : i32 to vector<16xi32>
        %parallel_loop3A_237 = arith.addi %get3A_99, %parallel_loop3A_236 : vector<16xi32>
        %parallel_loop3A_238 = arith.constant 0 : i32
        %parallel_loop3A_239 = arith.constant 0 : i32
        %parallel_loop3A_240 = arith.constant 0 : i32
        %parallel_loop3A_241 = tpu.memref_slice %arg8[%parallel_loop3A_238, %parallel_loop3A_239, %parallel_loop3A_240] : memref<2x128x128xf32, #tpu.memory_space<vmem>> -> memref<1x128x128xf32, #tpu.memory_space<vmem>>
        %parallel_loop3A_242 = tpu.memref_squeeze %parallel_loop3A_241 : memref<1x128x128xf32, #tpu.memory_space<vmem>> -> memref<128x128xf32, #tpu.memory_space<vmem>>
        %parallel_loop3A_243 = tpu.vector_load_idx %parallel_loop3A_242[%add3A_76, %parallel_loop3A_237] : memref<128x128xf32, #tpu.memory_space<vmem>>[vector<16xi32>, vector<16xi32>], vector<16xf32>,
        %parallel_loop3A_244 = arith.constant 0 : i32
        %parallel_loop3A_245 = arith.index_cast %parallel_loop3A_244 : i32 to index
        %parallel_loop3A_246 = arith.index_cast %parallel_loop3A_235 : i32 to index
        %parallel_loop3A_247 = arith.constant 0 : index
        %parallel_loop3A_248 = tpu.vector_load %arg9[%parallel_loop3A_245, %parallel_loop3A_246, %parallel_loop3A_247] {strides = array<i32>} : memref<2x64x128xf32, #tpu.memory_space<vmem>>, vector<16xf32>,
        tpu.vector_store %arg9[%parallel_loop3A_245, %parallel_loop3A_246, %parallel_loop3A_247], %parallel_loop3A_243 {strides = array<i32>} : memref<2x64x128xf32, #tpu.memory_space<vmem>>, vector<16xf32>,
        %parallel_loop3A_249 = vector.broadcast %parallel_loop3A_235 : i32 to vector<16xi32>
        %parallel_loop3A_250 = arith.addi %get3A_102, %parallel_loop3A_249 : vector<16xi32>
        %parallel_loop3A_251 = arith.constant 0 : i32
        %parallel_loop3A_252 = arith.constant 0 : i32
        %parallel_loop3A_253 = arith.constant 0 : i32
        %parallel_loop3A_254 = tpu.memref_slice %arg8[%parallel_loop3A_251, %parallel_loop3A_252, %parallel_loop3A_253] : memref<2x128x128xf32, #tpu.memory_space<vmem>> -> memref<1x128x128xf32, #tpu.memory_space<vmem>>
        %parallel_loop3A_255 = tpu.memref_squeeze %parallel_loop3A_254 : memref<1x128x128xf32, #tpu.memory_space<vmem>> -> memref<128x128xf32, #tpu.memory_space<vmem>>
        %parallel_loop3A_256 = tpu.vector_load_idx %parallel_loop3A_255[%add3A_79, %parallel_loop3A_250] : memref<128x128xf32, #tpu.memory_space<vmem>>[vector<16xi32>, vector<16xi32>], vector<16xf32>,
        %parallel_loop3A_257 = arith.constant 0 : i32
        %parallel_loop3A_258 = arith.index_cast %parallel_loop3A_257 : i32 to index
        %parallel_loop3A_259 = arith.index_cast %parallel_loop3A_235 : i32 to index
        %parallel_loop3A_260 = arith.constant 16 : index
        %parallel_loop3A_261 = tpu.vector_load %arg9[%parallel_loop3A_258, %parallel_loop3A_259, %parallel_loop3A_260] {strides = array<i32>} : memref<2x64x128xf32, #tpu.memory_space<vmem>>, vector<16xf32>,
        tpu.vector_store %arg9[%parallel_loop3A_258, %parallel_loop3A_259, %parallel_loop3A_260], %parallel_loop3A_256 {strides = array<i32>} : memref<2x64x128xf32, #tpu.memory_space<vmem>>, vector<16xf32>,
        %parallel_loop3A_262 = vector.broadcast %parallel_loop3A_235 : i32 to vector<16xi32>
        %parallel_loop3A_263 = arith.addi %get3A_105, %parallel_loop3A_262 : vector<16xi32>
        %parallel_loop3A_264 = arith.constant 0 : i32
        %parallel_loop3A_265 = arith.constant 0 : i32
        %parallel_loop3A_266 = arith.constant 0 : i32
        %parallel_loop3A_267 = tpu.memref_slice %arg8[%parallel_loop3A_264, %parallel_loop3A_265, %parallel_loop3A_266] : memref<2x128x128xf32, #tpu.memory_space<vmem>> -> memref<1x128x128xf32, #tpu.memory_space<vmem>>
        %parallel_loop3A_268 = tpu.memref_squeeze %parallel_loop3A_267 : memref<1x128x128xf32, #tpu.memory_space<vmem>> -> memref<128x128xf32, #tpu.memory_space<vmem>>
        %parallel_loop3A_269 = tpu.vector_load_idx %parallel_loop3A_268[%add3A_82, %parallel_loop3A_263] : memref<128x128xf32, #tpu.memory_space<vmem>>[vector<16xi32>, vector<16xi32>], vector<16xf32>,
        %parallel_loop3A_270 = arith.constant 0 : i32
        %parallel_loop3A_271 = arith.index_cast %parallel_loop3A_270 : i32 to index
        %parallel_loop3A_272 = arith.index_cast %parallel_loop3A_235 : i32 to index
        %parallel_loop3A_273 = arith.constant 32 : index
        %parallel_loop3A_274 = tpu.vector_load %arg9[%parallel_loop3A_271, %parallel_loop3A_272, %parallel_loop3A_273] {strides = array<i32>} : memref<2x64x128xf32, #tpu.memory_space<vmem>>, vector<16xf32>,
        tpu.vector_store %arg9[%parallel_loop3A_271, %parallel_loop3A_272, %parallel_loop3A_273], %parallel_loop3A_269 {strides = array<i32>} : memref<2x64x128xf32, #tpu.memory_space<vmem>>, vector<16xf32>,
        %parallel_loop3A_275 = vector.broadcast %parallel_loop3A_235 : i32 to vector<16xi32>
        %parallel_loop3A_276 = arith.addi %get3A_108, %parallel_loop3A_275 : vector<16xi32>
        %parallel_loop3A_277 = arith.constant 0 : i32
        %parallel_loop3A_278 = arith.constant 0 : i32
        %parallel_loop3A_279 = arith.constant 0 : i32
        %parallel_loop3A_280 = tpu.memref_slice %arg8[%parallel_loop3A_277, %parallel_loop3A_278, %parallel_loop3A_279] : memref<2x128x128xf32, #tpu.memory_space<vmem>> -> memref<1x128x128xf32, #tpu.memory_space<vmem>>
        %parallel_loop3A_281 = tpu.memref_squeeze %parallel_loop3A_280 : memref<1x128x128xf32, #tpu.memory_space<vmem>> -> memref<128x128xf32, #tpu.memory_space<vmem>>
        %parallel_loop3A_282 = tpu.vector_load_idx %parallel_loop3A_281[%add3A_85, %parallel_loop3A_276] : memref<128x128xf32, #tpu.memory_space<vmem>>[vector<16xi32>, vector<16xi32>], vector<16xf32>,
        %parallel_loop3A_283 = arith.constant 0 : i32
        %parallel_loop3A_284 = arith.index_cast %parallel_loop3A_283 : i32 to index
        %parallel_loop3A_285 = arith.index_cast %parallel_loop3A_235 : i32 to index
        %parallel_loop3A_286 = arith.constant 48 : index
        %parallel_loop3A_287 = tpu.vector_load %arg9[%parallel_loop3A_284, %parallel_loop3A_285, %parallel_loop3A_286] {strides = array<i32>} : memref<2x64x128xf32, #tpu.memory_space<vmem>>, vector<16xf32>,
        tpu.vector_store %arg9[%parallel_loop3A_284, %parallel_loop3A_285, %parallel_loop3A_286], %parallel_loop3A_282 {strides = array<i32>} : memref<2x64x128xf32, #tpu.memory_space<vmem>>, vector<16xf32>,
        %parallel_loop3A_288 = vector.broadcast %parallel_loop3A_235 : i32 to vector<16xi32>
        %parallel_loop3A_289 = arith.addi %get3A_111, %parallel_loop3A_288 : vector<16xi32>
        %parallel_loop3A_290 = arith.constant 0 : i32
        %parallel_loop3A_291 = arith.constant 0 : i32
        %parallel_loop3A_292 = arith.constant 0 : i32
        %parallel_loop3A_293 = tpu.memref_slice %arg8[%parallel_loop3A_290, %parallel_loop3A_291, %parallel_loop3A_292] : memref<2x128x128xf32, #tpu.memory_space<vmem>> -> memref<1x128x128xf32, #tpu.memory_space<vmem>>
        %parallel_loop3A_294 = tpu.memref_squeeze %parallel_loop3A_293 : memref<1x128x128xf32, #tpu.memory_space<vmem>> -> memref<128x128xf32, #tpu.memory_space<vmem>>
        %parallel_loop3A_295 = tpu.vector_load_idx %parallel_loop3A_294[%add3A_88, %parallel_loop3A_289] : memref<128x128xf32, #tpu.memory_space<vmem>>[vector<16xi32>, vector<16xi32>], vector<16xf32>,
        %parallel_loop3A_296 = arith.constant 0 : i32
        %parallel_loop3A_297 = arith.index_cast %parallel_loop3A_296 : i32 to index
        %parallel_loop3A_298 = arith.index_cast %parallel_loop3A_235 : i32 to index
        %parallel_loop3A_299 = arith.constant 64 : index
        %parallel_loop3A_300 = tpu.vector_load %arg9[%parallel_loop3A_297, %parallel_loop3A_298, %parallel_loop3A_299] {strides = array<i32>} : memref<2x64x128xf32, #tpu.memory_space<vmem>>, vector<16xf32>,
        tpu.vector_store %arg9[%parallel_loop3A_297, %parallel_loop3A_298, %parallel_loop3A_299], %parallel_loop3A_295 {strides = array<i32>} : memref<2x64x128xf32, #tpu.memory_space<vmem>>, vector<16xf32>,
        %parallel_loop3A_301 = vector.broadcast %parallel_loop3A_235 : i32 to vector<16xi32>
        %parallel_loop3A_302 = arith.addi %get3A_114, %parallel_loop3A_301 : vector<16xi32>
        %parallel_loop3A_303 = arith.constant 0 : i32
        %parallel_loop3A_304 = arith.constant 0 : i32
        %parallel_loop3A_305 = arith.constant 0 : i32
        %parallel_loop3A_306 = tpu.memref_slice %arg8[%parallel_loop3A_303, %parallel_loop3A_304, %parallel_loop3A_305] : memref<2x128x128xf32, #tpu.memory_space<vmem>> -> memref<1x128x128xf32, #tpu.memory_space<vmem>>
        %parallel_loop3A_307 = tpu.memref_squeeze %parallel_loop3A_306 : memref<1x128x128xf32, #tpu.memory_space<vmem>> -> memref<128x128xf32, #tpu.memory_space<vmem>>
        %parallel_loop3A_308 = tpu.vector_load_idx %parallel_loop3A_307[%add3A_91, %parallel_loop3A_302] : memref<128x128xf32, #tpu.memory_space<vmem>>[vector<16xi32>, vector<16xi32>], vector<16xf32>,
        %parallel_loop3A_309 = arith.constant 0 : i32
        %parallel_loop3A_310 = arith.index_cast %parallel_loop3A_309 : i32 to index
        %parallel_loop3A_311 = arith.index_cast %parallel_loop3A_235 : i32 to index
        %parallel_loop3A_312 = arith.constant 80 : index
        %parallel_loop3A_313 = tpu.vector_load %arg9[%parallel_loop3A_310, %parallel_loop3A_311, %parallel_loop3A_312] {strides = array<i32>} : memref<2x64x128xf32, #tpu.memory_space<vmem>>, vector<16xf32>,
        tpu.vector_store %arg9[%parallel_loop3A_310, %parallel_loop3A_311, %parallel_loop3A_312], %parallel_loop3A_308 {strides = array<i32>} : memref<2x64x128xf32, #tpu.memory_space<vmem>>, vector<16xf32>,
        %parallel_loop3A_314 = vector.broadcast %parallel_loop3A_235 : i32 to vector<16xi32>
        %parallel_loop3A_315 = arith.addi %get3A_117, %parallel_loop3A_314 : vector<16xi32>
        %parallel_loop3A_316 = arith.constant 0 : i32
        %parallel_loop3A_317 = arith.constant 0 : i32
        %parallel_loop3A_318 = arith.constant 0 : i32
        %parallel_loop3A_319 = tpu.memref_slice %arg8[%parallel_loop3A_316, %parallel_loop3A_317, %parallel_loop3A_318] : memref<2x128x128xf32, #tpu.memory_space<vmem>> -> memref<1x128x128xf32, #tpu.memory_space<vmem>>
        %parallel_loop3A_320 = tpu.memref_squeeze %parallel_loop3A_319 : memref<1x128x128xf32, #tpu.memory_space<vmem>> -> memref<128x128xf32, #tpu.memory_space<vmem>>
        %parallel_loop3A_321 = tpu.vector_load_idx %parallel_loop3A_320[%add3A_94, %parallel_loop3A_315] : memref<128x128xf32, #tpu.memory_space<vmem>>[vector<16xi32>, vector<16xi32>], vector<16xf32>,
        %parallel_loop3A_322 = arith.constant 0 : i32
        %parallel_loop3A_323 = arith.index_cast %parallel_loop3A_322 : i32 to index
        %parallel_loop3A_324 = arith.index_cast %parallel_loop3A_235 : i32 to index
        %parallel_loop3A_325 = arith.constant 96 : index
        %parallel_loop3A_326 = tpu.vector_load %arg9[%parallel_loop3A_323, %parallel_loop3A_324, %parallel_loop3A_325] {strides = array<i32>} : memref<2x64x128xf32, #tpu.memory_space<vmem>>, vector<16xf32>,
        tpu.vector_store %arg9[%parallel_loop3A_323, %parallel_loop3A_324, %parallel_loop3A_325], %parallel_loop3A_321 {strides = array<i32>} : memref<2x64x128xf32, #tpu.memory_space<vmem>>, vector<16xf32>,
        %parallel_loop3A_327 = vector.broadcast %parallel_loop3A_235 : i32 to vector<16xi32>
        %parallel_loop3A_328 = arith.addi %get3A_120, %parallel_loop3A_327 : vector<16xi32>
        %parallel_loop3A_329 = arith.constant 0 : i32
        %parallel_loop3A_330 = arith.constant 0 : i32
        %parallel_loop3A_331 = arith.constant 0 : i32
        %parallel_loop3A_332 = tpu.memref_slice %arg8[%parallel_loop3A_329, %parallel_loop3A_330, %parallel_loop3A_331] : memref<2x128x128xf32, #tpu.memory_space<vmem>> -> memref<1x128x128xf32, #tpu.memory_space<vmem>>
        %parallel_loop3A_333 = tpu.memref_squeeze %parallel_loop3A_332 : memref<1x128x128xf32, #tpu.memory_space<vmem>> -> memref<128x128xf32, #tpu.memory_space<vmem>>
        %parallel_loop3A_334 = tpu.vector_load_idx %parallel_loop3A_333[%add3A_97, %parallel_loop3A_328] : memref<128x128xf32, #tpu.memory_space<vmem>>[vector<16xi32>, vector<16xi32>], vector<16xf32>,
        %parallel_loop3A_335 = arith.constant 0 : i32
        %parallel_loop3A_336 = arith.index_cast %parallel_loop3A_335 : i32 to index
        %parallel_loop3A_337 = arith.index_cast %parallel_loop3A_235 : i32 to index
        %parallel_loop3A_338 = arith.constant 112 : index
        %parallel_loop3A_339 = tpu.vector_load %arg9[%parallel_loop3A_336, %parallel_loop3A_337, %parallel_loop3A_338] {strides = array<i32>} : memref<2x64x128xf32, #tpu.memory_space<vmem>>, vector<16xf32>,
        tpu.vector_store %arg9[%parallel_loop3A_336, %parallel_loop3A_337, %parallel_loop3A_338], %parallel_loop3A_334 {strides = array<i32>} : memref<2x64x128xf32, #tpu.memory_space<vmem>>, vector<16xf32>,
      } {sc.loop_unroll_factor = 8 : i64, sc.parallel_access}
      %mul3A_123 = arith.constant 128 : i32
      %mul3A_124 = arith.muli %add3A, %mul3A_123 : i32
      %dma_start3A_125 = arith.constant 0 : i32
      %dma_start3A_126 = arith.constant 0 : i32
      %dma_start3A_127 = arith.constant 0 : i32
      %dma_start3A_128 = tpu.memref_slice %arg9[%dma_start3A_125, %dma_start3A_126, %dma_start3A_127] : memref<2x64x128xf32, #tpu.memory_space<vmem>> -> memref<1x64x128xf32, #tpu.memory_space<vmem>>
      %dma_start3A_129 = tpu.memref_squeeze %dma_start3A_128 : memref<1x64x128xf32, #tpu.memory_space<vmem>> -> memref<64x128xf32, #tpu.memory_space<vmem>>
      %dma_start3A_130 = arith.constant 0 : i32
      %dma_start3A_131 = tpu.memref_slice %arg5[%mul3A_54, %dma_start3A_130, %mul3A_124] : memref<50x64x4096xf32, #tpu.memory_space<hbm>> -> memref<1x64x128xf32, #tpu.memory_space<hbm>>
      %dma_start3A_132 = tpu.memref_squeeze %dma_start3A_131 : memref<1x64x128xf32, #tpu.memory_space<hbm>> -> memref<64x128xf32, #tpu.memory_space<hbm>>
      %dma_start3A_133 = arith.constant 0 : i32
      %dma_start3A_134 = tpu.memref_slice %arg5[%mul3A_54, %dma_start3A_133, %mul3A_124] : memref<50x64x4096xf32, #tpu.memory_space<hbm>> -> memref<1x64x128xf32, #tpu.memory_space<hbm>>
      %dma_start3A_135 = tpu.memref_squeeze %dma_start3A_134 : memref<1x64x128xf32, #tpu.memory_space<hbm>> -> memref<64x128xf32, #tpu.memory_space<hbm>>
      %dma_start3A_136 = arith.constant 0 : i32
      %dma_start3A_137 = arith.constant 0 : i32
      %dma_start3A_138 = tpu.memref_slice %arg9[%dma_start3A_125, %dma_start3A_136, %dma_start3A_137] : memref<2x64x128xf32, #tpu.memory_space<vmem>> -> memref<1x64x128xf32, #tpu.memory_space<vmem>>
      %dma_start3A_139 = tpu.memref_squeeze %dma_start3A_138 : memref<1x64x128xf32, #tpu.memory_space<vmem>> -> memref<64x128xf32, #tpu.memory_space<vmem>>
      tpu.enqueue_dma source(%dma_start3A_139 : memref<64x128xf32, #tpu.memory_space<vmem>>) target(%dma_start3A_135 : memref<64x128xf32, #tpu.memory_space<hbm>>) target_semaphore(%arg12 : memref<!tpu.dma_semaphore, #tpu.memory_space<semaphore_mem>>)
      %mul3A_140 = arith.constant 2 : i32
      %mul3A_141 = arith.muli %mul3A_140, %scan3A_52 : i32
      %add3A_142 = arith.constant 1 : i32
      %add3A_143 = arith.addi %mul3A_141, %add3A_142 : i32
      %add3A_144 = arith.constant 1 : i32
      %add3A_145 = arith.addi %add3A_143, %add3A_144 : i32
      %lt3A_146 = arith.constant 50 : i32
      %lt3A_147 = arith.cmpi slt, %add3A_145, %lt3A_146 : i32
      %convert_element_type3A_148 = arith.extui %lt3A_147 : i1 to i32
      %cond3A_149 = arith.constant 0 : i32
      %cond3A_150 = arith.cmpi ne, %convert_element_type3A_148, %cond3A_149 : i32
      scf.if %cond3A_150 {
        %add3A_235 = arith.constant 1 : i32
        %add3A_236 = arith.addi %add3A_143, %add3A_235 : i32
        %dma_start3A_237 = arith.constant 0 : i32
        %dma_start3A_238 = arith.constant 0 : i32
        %dma_start3A_239 = arith.constant 0 : i32
        %dma_start3A_240 = tpu.memref_slice %arg8[%dma_start3A_237, %dma_start3A_238, %dma_start3A_239] : memref<2x128x128xf32, #tpu.memory_space<vmem>> -> memref<1x128x128xf32, #tpu.memory_space<vmem>>
        %dma_start3A_241 = tpu.memref_squeeze %dma_start3A_240 : memref<1x128x128xf32, #tpu.memory_space<vmem>> -> memref<128x128xf32, #tpu.memory_space<vmem>>
        %dma_start3A_242 = arith.constant 0 : i32
        %dma_start3A_243 = tpu.memref_slice %arg6[%add3A_236, %dma_start3A_242] : memref<50x128xi32, #tpu.memory_space<vmem>> -> memref<1x128xi32, #tpu.memory_space<vmem>>
        %dma_start3A_244 = tpu.memref_squeeze %dma_start3A_243 : memref<1x128xi32, #tpu.memory_space<vmem>> -> memref<128xi32, #tpu.memory_space<vmem>>
        %dma_start3A_245 = arith.constant 0 : i32
        %dma_start3A_246 = arith.constant 0 : i32
        %dma_start3A_247 = tpu.memref_slice %arg4[%dma_start3A_245, %dma_start3A_246] : memref<500000x128xf32, #tpu.memory_space<hbm>> -> memref<500000x128xf32, #tpu.memory_space<hbm>>
        tpu.enqueue_indirect_dma source(%dma_start3A_247 : memref<500000x128xf32, #tpu.memory_space<hbm>>) target(%dma_start3A_241 : memref<128x128xf32, #tpu.memory_space<vmem>>) offsets(%dma_start3A_244 : memref<128xi32, #tpu.memory_space<vmem>>) semaphore(%arg10 : memref<!tpu.dma_semaphore, #tpu.memory_space<semaphore_mem>>)
      } else {
      }
      %dma_wait3A_151 = arith.constant 1 : i32
      %dma_wait3A_152 = arith.constant 0 : i32
      %dma_wait3A_153 = arith.constant 0 : i32
      %dma_wait3A_154 = tpu.memref_slice %arg8[%dma_wait3A_151, %dma_wait3A_152, %dma_wait3A_153] : memref<2x128x128xf32, #tpu.memory_space<vmem>> -> memref<1x128x128xf32, #tpu.memory_space<vmem>>
      %dma_wait3A_155 = tpu.memref_squeeze %dma_wait3A_154 : memref<1x128x128xf32, #tpu.memory_space<vmem>> -> memref<128x128xf32, #tpu.memory_space<vmem>>
      %dma_wait3A_156 = arith.constant 0 : i32
      %dma_wait3A_157 = tpu.memref_slice %arg6[%add3A_143, %dma_wait3A_156] : memref<50x128xi32, #tpu.memory_space<vmem>> -> memref<1x128xi32, #tpu.memory_space<vmem>>
      %dma_wait3A_158 = tpu.memref_squeeze %dma_wait3A_157 : memref<1x128xi32, #tpu.memory_space<vmem>> -> memref<128xi32, #tpu.memory_space<vmem>>
      %dma_wait3A_159 = arith.constant 0 : i32
      %dma_wait3A_160 = arith.constant 0 : i32
      %dma_wait3A_161 = tpu.memref_slice %arg4[%dma_wait3A_159, %dma_wait3A_160] : memref<500000x128xf32, #tpu.memory_space<hbm>> -> memref<500000x128xf32, #tpu.memory_space<hbm>>
      tpu.wait_indirect_dma semaphore(%arg11 : memref<!tpu.dma_semaphore, #tpu.memory_space<semaphore_mem>>) src(%dma_wait3A_161 : memref<500000x128xf32, #tpu.memory_space<hbm>>) dst(%dma_wait3A_155 : memref<128x128xf32, #tpu.memory_space<vmem>>)
      %ge3A_162 = arith.constant 2 : i32
      %ge3A_163 = arith.cmpi sge, %add3A_143, %ge3A_162 : i32
      %convert_element_type3A_164 = arith.extui %ge3A_163 : i1 to i32
      %cond3A_165 = arith.constant 0 : i32
      %cond3A_166 = arith.cmpi ne, %convert_element_type3A_164, %cond3A_165 : i32
      scf.if %cond3A_166 {
        %sub3A = arith.constant 2 : i32
        %sub3A_235 = arith.subi %add3A_143, %sub3A : i32
        %mul3A_236 = arith.constant 128 : i32
        %mul3A_237 = arith.muli %add3A, %mul3A_236 : i32
        %dma_wait3A_238 = arith.constant 1 : i32
        %dma_wait3A_239 = arith.constant 0 : i32
        %dma_wait3A_240 = arith.constant 0 : i32
        %dma_wait3A_241 = tpu.memref_slice %arg9[%dma_wait3A_238, %dma_wait3A_239, %dma_wait3A_240] : memref<2x64x128xf32, #tpu.memory_space<vmem>> -> memref<1x64x128xf32, #tpu.memory_space<vmem>>
        %dma_wait3A_242 = tpu.memref_squeeze %dma_wait3A_241 : memref<1x64x128xf32, #tpu.memory_space<vmem>> -> memref<64x128xf32, #tpu.memory_space<vmem>>
        %dma_wait3A_243 = arith.constant 0 : i32
        %dma_wait3A_244 = tpu.memref_slice %arg5[%sub3A_235, %dma_wait3A_243, %mul3A_237] : memref<50x64x4096xf32, #tpu.memory_space<hbm>> -> memref<1x64x128xf32, #tpu.memory_space<hbm>>
        %dma_wait3A_245 = tpu.memref_squeeze %dma_wait3A_244 : memref<1x64x128xf32, #tpu.memory_space<hbm>> -> memref<64x128xf32, #tpu.memory_space<hbm>>
        %dma_wait3A_246 = arith.constant 0 : i32
        %dma_wait3A_247 = tpu.memref_slice %arg5[%sub3A_235, %dma_wait3A_246, %mul3A_237] : memref<50x64x4096xf32, #tpu.memory_space<hbm>> -> memref<1x64x128xf32, #tpu.memory_space<hbm>>
        %dma_wait3A_248 = tpu.memref_squeeze %dma_wait3A_247 : memref<1x64x128xf32, #tpu.memory_space<hbm>> -> memref<64x128xf32, #tpu.memory_space<hbm>>
        %dma_wait3A_249 = arith.constant 0 : i32
        %dma_wait3A_250 = arith.constant 0 : i32
        %dma_wait3A_251 = tpu.memref_slice %arg9[%dma_wait3A_238, %dma_wait3A_249, %dma_wait3A_250] : memref<2x64x128xf32, #tpu.memory_space<vmem>> -> memref<1x64x128xf32, #tpu.memory_space<vmem>>
        %dma_wait3A_252 = tpu.memref_squeeze %dma_wait3A_251 : memref<1x64x128xf32, #tpu.memory_space<vmem>> -> memref<64x128xf32, #tpu.memory_space<vmem>>
        tpu.wait_dma2 semaphore(%arg13 : memref<!tpu.dma_semaphore, #tpu.memory_space<semaphore_mem>>) src(%dma_wait3A_252 : memref<64x128xf32, #tpu.memory_space<vmem>>) dst(%dma_wait3A_248 : memref<64x128xf32, #tpu.memory_space<hbm>>)
      } else {
      }
      %add3A_167 = arith.constant 0 : i32
      %add3A_168 = vector.broadcast %add3A_167 : i32 to vector<16xi32>
      %add3A_169 = arith.addi %add3A_168, %iota3A : vector<16xi32>
      %add3A_170 = arith.constant 16 : i32
      %add3A_171 = vector.broadcast %add3A_170 : i32 to vector<16xi32>
      %add3A_172 = arith.addi %add3A_171, %iota3A : vector<16xi32>
      %add3A_173 = arith.constant 32 : i32
      %add3A_174 = vector.broadcast %add3A_173 : i32 to vector<16xi32>
      %add3A_175 = arith.addi %add3A_174, %iota3A : vector<16xi32>
      %add3A_176 = arith.constant 48 : i32
      %add3A_177 = vector.broadcast %add3A_176 : i32 to vector<16xi32>
      %add3A_178 = arith.addi %add3A_177, %iota3A : vector<16xi32>
      %add3A_179 = arith.constant 64 : i32
      %add3A_180 = vector.broadcast %add3A_179 : i32 to vector<16xi32>
      %add3A_181 = arith.addi %add3A_180, %iota3A : vector<16xi32>
      %add3A_182 = arith.constant 80 : i32
      %add3A_183 = vector.broadcast %add3A_182 : i32 to vector<16xi32>
      %add3A_184 = arith.addi %add3A_183, %iota3A : vector<16xi32>
      %add3A_185 = arith.constant 96 : i32
      %add3A_186 = vector.broadcast %add3A_185 : i32 to vector<16xi32>
      %add3A_187 = arith.addi %add3A_186, %iota3A : vector<16xi32>
      %add3A_188 = arith.constant 112 : i32
      %add3A_189 = vector.broadcast %add3A_188 : i32 to vector<16xi32>
      %add3A_190 = arith.addi %add3A_189, %iota3A : vector<16xi32>
      %get3A_191 = arith.index_cast %add3A_143 : i32 to index
      %get3A_192 = arith.constant 0 : index
      %get3A_193 = tpu.vector_load %arg7[%get3A_191, %get3A_192] {strides = array<i32>} : memref<50x128xi32, #tpu.memory_space<vmem>>, vector<16xi32>,
      %get3A_194 = arith.index_cast %add3A_143 : i32 to index
      %get3A_195 = arith.constant 16 : index
      %get3A_196 = tpu.vector_load %arg7[%get3A_194, %get3A_195] {strides = array<i32>} : memref<50x128xi32, #tpu.memory_space<vmem>>, vector<16xi32>,
      %get3A_197 = arith.index_cast %add3A_143 : i32 to index
      %get3A_198 = arith.constant 32 : index
      %get3A_199 = tpu.vector_load %arg7[%get3A_197, %get3A_198] {strides = array<i32>} : memref<50x128xi32, #tpu.memory_space<vmem>>, vector<16xi32>,
      %get3A_200 = arith.index_cast %add3A_143 : i32 to index
      %get3A_201 = arith.constant 48 : index
      %get3A_202 = tpu.vector_load %arg7[%get3A_200, %get3A_201] {strides = array<i32>} : memref<50x128xi32, #tpu.memory_space<vmem>>, vector<16xi32>,
      %get3A_203 = arith.index_cast %add3A_143 : i32 to index
      %get3A_204 = arith.constant 64 : index
      %get3A_205 = tpu.vector_load %arg7[%get3A_203, %get3A_204] {strides = array<i32>} : memref<50x128xi32, #tpu.memory_space<vmem>>, vector<16xi32>,
      %get3A_206 = arith.index_cast %add3A_143 : i32 to index
      %get3A_207 = arith.constant 80 : index
      %get3A_208 = tpu.vector_load %arg7[%get3A_206, %get3A_207] {strides = array<i32>} : memref<50x128xi32, #tpu.memory_space<vmem>>, vector<16xi32>,
      %get3A_209 = arith.index_cast %add3A_143 : i32 to index
      %get3A_210 = arith.constant 96 : index
      %get3A_211 = tpu.vector_load %arg7[%get3A_209, %get3A_210] {strides = array<i32>} : memref<50x128xi32, #tpu.memory_space<vmem>>, vector<16xi32>,
      %get3A_212 = arith.index_cast %add3A_143 : i32 to index
      %get3A_213 = arith.constant 112 : index
      %get3A_214 = tpu.vector_load %arg7[%get3A_212, %get3A_213] {strides = array<i32>} : memref<50x128xi32, #tpu.memory_space<vmem>>, vector<16xi32>,
      %parallel_loop3A_215 = arith.constant 0 : i32
      %parallel_loop3A_216 = arith.constant 64 : i32
      %parallel_loop3A_217 = arith.constant 1 : i32
      scf.for %parallel_loop3A_235 = %parallel_loop3A_215 to %parallel_loop3A_216 step %parallel_loop3A_217  : i32 {
        %parallel_loop3A_236 = vector.broadcast %parallel_loop3A_235 : i32 to vector<16xi32>
        %parallel_loop3A_237 = arith.addi %get3A_193, %parallel_loop3A_236 : vector<16xi32>
        %parallel_loop3A_238 = arith.constant 1 : i32
        %parallel_loop3A_239 = arith.constant 0 : i32
        %parallel_loop3A_240 = arith.constant 0 : i32
        %parallel_loop3A_241 = tpu.memref_slice %arg8[%parallel_loop3A_238, %parallel_loop3A_239, %parallel_loop3A_240] : memref<2x128x128xf32, #tpu.memory_space<vmem>> -> memref<1x128x128xf32, #tpu.memory_space<vmem>>
        %parallel_loop3A_242 = tpu.memref_squeeze %parallel_loop3A_241 : memref<1x128x128xf32, #tpu.memory_space<vmem>> -> memref<128x128xf32, #tpu.memory_space<vmem>>
        %parallel_loop3A_243 = tpu.vector_load_idx %parallel_loop3A_242[%add3A_169, %parallel_loop3A_237] : memref<128x128xf32, #tpu.memory_space<vmem>>[vector<16xi32>, vector<16xi32>], vector<16xf32>,
        %parallel_loop3A_244 = arith.constant 1 : i32
        %parallel_loop3A_245 = arith.index_cast %parallel_loop3A_244 : i32 to index
        %parallel_loop3A_246 = arith.index_cast %parallel_loop3A_235 : i32 to index
        %parallel_loop3A_247 = arith.constant 0 : index
        %parallel_loop3A_248 = tpu.vector_load %arg9[%parallel_loop3A_245, %parallel_loop3A_246, %parallel_loop3A_247] {strides = array<i32>} : memref<2x64x128xf32, #tpu.memory_space<vmem>>, vector<16xf32>,
        tpu.vector_store %arg9[%parallel_loop3A_245, %parallel_loop3A_246, %parallel_loop3A_247], %parallel_loop3A_243 {strides = array<i32>} : memref<2x64x128xf32, #tpu.memory_space<vmem>>, vector<16xf32>,
        %parallel_loop3A_249 = vector.broadcast %parallel_loop3A_235 : i32 to vector<16xi32>
        %parallel_loop3A_250 = arith.addi %get3A_196, %parallel_loop3A_249 : vector<16xi32>
        %parallel_loop3A_251 = arith.constant 1 : i32
        %parallel_loop3A_252 = arith.constant 0 : i32
        %parallel_loop3A_253 = arith.constant 0 : i32
        %parallel_loop3A_254 = tpu.memref_slice %arg8[%parallel_loop3A_251, %parallel_loop3A_252, %parallel_loop3A_253] : memref<2x128x128xf32, #tpu.memory_space<vmem>> -> memref<1x128x128xf32, #tpu.memory_space<vmem>>
        %parallel_loop3A_255 = tpu.memref_squeeze %parallel_loop3A_254 : memref<1x128x128xf32, #tpu.memory_space<vmem>> -> memref<128x128xf32, #tpu.memory_space<vmem>>
        %parallel_loop3A_256 = tpu.vector_load_idx %parallel_loop3A_255[%add3A_172, %parallel_loop3A_250] : memref<128x128xf32, #tpu.memory_space<vmem>>[vector<16xi32>, vector<16xi32>], vector<16xf32>,
        %parallel_loop3A_257 = arith.constant 1 : i32
        %parallel_loop3A_258 = arith.index_cast %parallel_loop3A_257 : i32 to index
        %parallel_loop3A_259 = arith.index_cast %parallel_loop3A_235 : i32 to index
        %parallel_loop3A_260 = arith.constant 16 : index
        %parallel_loop3A_261 = tpu.vector_load %arg9[%parallel_loop3A_258, %parallel_loop3A_259, %parallel_loop3A_260] {strides = array<i32>} : memref<2x64x128xf32, #tpu.memory_space<vmem>>, vector<16xf32>,
        tpu.vector_store %arg9[%parallel_loop3A_258, %parallel_loop3A_259, %parallel_loop3A_260], %parallel_loop3A_256 {strides = array<i32>} : memref<2x64x128xf32, #tpu.memory_space<vmem>>, vector<16xf32>,
        %parallel_loop3A_262 = vector.broadcast %parallel_loop3A_235 : i32 to vector<16xi32>
        %parallel_loop3A_263 = arith.addi %get3A_199, %parallel_loop3A_262 : vector<16xi32>
        %parallel_loop3A_264 = arith.constant 1 : i32
        %parallel_loop3A_265 = arith.constant 0 : i32
        %parallel_loop3A_266 = arith.constant 0 : i32
        %parallel_loop3A_267 = tpu.memref_slice %arg8[%parallel_loop3A_264, %parallel_loop3A_265, %parallel_loop3A_266] : memref<2x128x128xf32, #tpu.memory_space<vmem>> -> memref<1x128x128xf32, #tpu.memory_space<vmem>>
        %parallel_loop3A_268 = tpu.memref_squeeze %parallel_loop3A_267 : memref<1x128x128xf32, #tpu.memory_space<vmem>> -> memref<128x128xf32, #tpu.memory_space<vmem>>
        %parallel_loop3A_269 = tpu.vector_load_idx %parallel_loop3A_268[%add3A_175, %parallel_loop3A_263] : memref<128x128xf32, #tpu.memory_space<vmem>>[vector<16xi32>, vector<16xi32>], vector<16xf32>,
        %parallel_loop3A_270 = arith.constant 1 : i32
        %parallel_loop3A_271 = arith.index_cast %parallel_loop3A_270 : i32 to index
        %parallel_loop3A_272 = arith.index_cast %parallel_loop3A_235 : i32 to index
        %parallel_loop3A_273 = arith.constant 32 : index
        %parallel_loop3A_274 = tpu.vector_load %arg9[%parallel_loop3A_271, %parallel_loop3A_272, %parallel_loop3A_273] {strides = array<i32>} : memref<2x64x128xf32, #tpu.memory_space<vmem>>, vector<16xf32>,
        tpu.vector_store %arg9[%parallel_loop3A_271, %parallel_loop3A_272, %parallel_loop3A_273], %parallel_loop3A_269 {strides = array<i32>} : memref<2x64x128xf32, #tpu.memory_space<vmem>>, vector<16xf32>,
        %parallel_loop3A_275 = vector.broadcast %parallel_loop3A_235 : i32 to vector<16xi32>
        %parallel_loop3A_276 = arith.addi %get3A_202, %parallel_loop3A_275 : vector<16xi32>
        %parallel_loop3A_277 = arith.constant 1 : i32
        %parallel_loop3A_278 = arith.constant 0 : i32
        %parallel_loop3A_279 = arith.constant 0 : i32
        %parallel_loop3A_280 = tpu.memref_slice %arg8[%parallel_loop3A_277, %parallel_loop3A_278, %parallel_loop3A_279] : memref<2x128x128xf32, #tpu.memory_space<vmem>> -> memref<1x128x128xf32, #tpu.memory_space<vmem>>
        %parallel_loop3A_281 = tpu.memref_squeeze %parallel_loop3A_280 : memref<1x128x128xf32, #tpu.memory_space<vmem>> -> memref<128x128xf32, #tpu.memory_space<vmem>>
        %parallel_loop3A_282 = tpu.vector_load_idx %parallel_loop3A_281[%add3A_178, %parallel_loop3A_276] : memref<128x128xf32, #tpu.memory_space<vmem>>[vector<16xi32>, vector<16xi32>], vector<16xf32>,
        %parallel_loop3A_283 = arith.constant 1 : i32
        %parallel_loop3A_284 = arith.index_cast %parallel_loop3A_283 : i32 to index
        %parallel_loop3A_285 = arith.index_cast %parallel_loop3A_235 : i32 to index
        %parallel_loop3A_286 = arith.constant 48 : index
        %parallel_loop3A_287 = tpu.vector_load %arg9[%parallel_loop3A_284, %parallel_loop3A_285, %parallel_loop3A_286] {strides = array<i32>} : memref<2x64x128xf32, #tpu.memory_space<vmem>>, vector<16xf32>,
        tpu.vector_store %arg9[%parallel_loop3A_284, %parallel_loop3A_285, %parallel_loop3A_286], %parallel_loop3A_282 {strides = array<i32>} : memref<2x64x128xf32, #tpu.memory_space<vmem>>, vector<16xf32>,
        %parallel_loop3A_288 = vector.broadcast %parallel_loop3A_235 : i32 to vector<16xi32>
        %parallel_loop3A_289 = arith.addi %get3A_205, %parallel_loop3A_288 : vector<16xi32>
        %parallel_loop3A_290 = arith.constant 1 : i32
        %parallel_loop3A_291 = arith.constant 0 : i32
        %parallel_loop3A_292 = arith.constant 0 : i32
        %parallel_loop3A_293 = tpu.memref_slice %arg8[%parallel_loop3A_290, %parallel_loop3A_291, %parallel_loop3A_292] : memref<2x128x128xf32, #tpu.memory_space<vmem>> -> memref<1x128x128xf32, #tpu.memory_space<vmem>>
        %parallel_loop3A_294 = tpu.memref_squeeze %parallel_loop3A_293 : memref<1x128x128xf32, #tpu.memory_space<vmem>> -> memref<128x128xf32, #tpu.memory_space<vmem>>
        %parallel_loop3A_295 = tpu.vector_load_idx %parallel_loop3A_294[%add3A_181, %parallel_loop3A_289] : memref<128x128xf32, #tpu.memory_space<vmem>>[vector<16xi32>, vector<16xi32>], vector<16xf32>,
        %parallel_loop3A_296 = arith.constant 1 : i32
        %parallel_loop3A_297 = arith.index_cast %parallel_loop3A_296 : i32 to index
        %parallel_loop3A_298 = arith.index_cast %parallel_loop3A_235 : i32 to index
        %parallel_loop3A_299 = arith.constant 64 : index
        %parallel_loop3A_300 = tpu.vector_load %arg9[%parallel_loop3A_297, %parallel_loop3A_298, %parallel_loop3A_299] {strides = array<i32>} : memref<2x64x128xf32, #tpu.memory_space<vmem>>, vector<16xf32>,
        tpu.vector_store %arg9[%parallel_loop3A_297, %parallel_loop3A_298, %parallel_loop3A_299], %parallel_loop3A_295 {strides = array<i32>} : memref<2x64x128xf32, #tpu.memory_space<vmem>>, vector<16xf32>,
        %parallel_loop3A_301 = vector.broadcast %parallel_loop3A_235 : i32 to vector<16xi32>
        %parallel_loop3A_302 = arith.addi %get3A_208, %parallel_loop3A_301 : vector<16xi32>
        %parallel_loop3A_303 = arith.constant 1 : i32
        %parallel_loop3A_304 = arith.constant 0 : i32
        %parallel_loop3A_305 = arith.constant 0 : i32
        %parallel_loop3A_306 = tpu.memref_slice %arg8[%parallel_loop3A_303, %parallel_loop3A_304, %parallel_loop3A_305] : memref<2x128x128xf32, #tpu.memory_space<vmem>> -> memref<1x128x128xf32, #tpu.memory_space<vmem>>
        %parallel_loop3A_307 = tpu.memref_squeeze %parallel_loop3A_306 : memref<1x128x128xf32, #tpu.memory_space<vmem>> -> memref<128x128xf32, #tpu.memory_space<vmem>>
        %parallel_loop3A_308 = tpu.vector_load_idx %parallel_loop3A_307[%add3A_184, %parallel_loop3A_302] : memref<128x128xf32, #tpu.memory_space<vmem>>[vector<16xi32>, vector<16xi32>], vector<16xf32>,
        %parallel_loop3A_309 = arith.constant 1 : i32
        %parallel_loop3A_310 = arith.index_cast %parallel_loop3A_309 : i32 to index
        %parallel_loop3A_311 = arith.index_cast %parallel_loop3A_235 : i32 to index
        %parallel_loop3A_312 = arith.constant 80 : index
        %parallel_loop3A_313 = tpu.vector_load %arg9[%parallel_loop3A_310, %parallel_loop3A_311, %parallel_loop3A_312] {strides = array<i32>} : memref<2x64x128xf32, #tpu.memory_space<vmem>>, vector<16xf32>,
        tpu.vector_store %arg9[%parallel_loop3A_310, %parallel_loop3A_311, %parallel_loop3A_312], %parallel_loop3A_308 {strides = array<i32>} : memref<2x64x128xf32, #tpu.memory_space<vmem>>, vector<16xf32>,
        %parallel_loop3A_314 = vector.broadcast %parallel_loop3A_235 : i32 to vector<16xi32>
        %parallel_loop3A_315 = arith.addi %get3A_211, %parallel_loop3A_314 : vector<16xi32>
        %parallel_loop3A_316 = arith.constant 1 : i32
        %parallel_loop3A_317 = arith.constant 0 : i32
        %parallel_loop3A_318 = arith.constant 0 : i32
        %parallel_loop3A_319 = tpu.memref_slice %arg8[%parallel_loop3A_316, %parallel_loop3A_317, %parallel_loop3A_318] : memref<2x128x128xf32, #tpu.memory_space<vmem>> -> memref<1x128x128xf32, #tpu.memory_space<vmem>>
        %parallel_loop3A_320 = tpu.memref_squeeze %parallel_loop3A_319 : memref<1x128x128xf32, #tpu.memory_space<vmem>> -> memref<128x128xf32, #tpu.memory_space<vmem>>
        %parallel_loop3A_321 = tpu.vector_load_idx %parallel_loop3A_320[%add3A_187, %parallel_loop3A_315] : memref<128x128xf32, #tpu.memory_space<vmem>>[vector<16xi32>, vector<16xi32>], vector<16xf32>,
        %parallel_loop3A_322 = arith.constant 1 : i32
        %parallel_loop3A_323 = arith.index_cast %parallel_loop3A_322 : i32 to index
        %parallel_loop3A_324 = arith.index_cast %parallel_loop3A_235 : i32 to index
        %parallel_loop3A_325 = arith.constant 96 : index
        %parallel_loop3A_326 = tpu.vector_load %arg9[%parallel_loop3A_323, %parallel_loop3A_324, %parallel_loop3A_325] {strides = array<i32>} : memref<2x64x128xf32, #tpu.memory_space<vmem>>, vector<16xf32>,
        tpu.vector_store %arg9[%parallel_loop3A_323, %parallel_loop3A_324, %parallel_loop3A_325], %parallel_loop3A_321 {strides = array<i32>} : memref<2x64x128xf32, #tpu.memory_space<vmem>>, vector<16xf32>,
        %parallel_loop3A_327 = vector.broadcast %parallel_loop3A_235 : i32 to vector<16xi32>
        %parallel_loop3A_328 = arith.addi %get3A_214, %parallel_loop3A_327 : vector<16xi32>
        %parallel_loop3A_329 = arith.constant 1 : i32
        %parallel_loop3A_330 = arith.constant 0 : i32
        %parallel_loop3A_331 = arith.constant 0 : i32
        %parallel_loop3A_332 = tpu.memref_slice %arg8[%parallel_loop3A_329, %parallel_loop3A_330, %parallel_loop3A_331] : memref<2x128x128xf32, #tpu.memory_space<vmem>> -> memref<1x128x128xf32, #tpu.memory_space<vmem>>
        %parallel_loop3A_333 = tpu.memref_squeeze %parallel_loop3A_332 : memref<1x128x128xf32, #tpu.memory_space<vmem>> -> memref<128x128xf32, #tpu.memory_space<vmem>>
        %parallel_loop3A_334 = tpu.vector_load_idx %parallel_loop3A_333[%add3A_190, %parallel_loop3A_328] : memref<128x128xf32, #tpu.memory_space<vmem>>[vector<16xi32>, vector<16xi32>], vector<16xf32>,
        %parallel_loop3A_335 = arith.constant 1 : i32
        %parallel_loop3A_336 = arith.index_cast %parallel_loop3A_335 : i32 to index
        %parallel_loop3A_337 = arith.index_cast %parallel_loop3A_235 : i32 to index
        %parallel_loop3A_338 = arith.constant 112 : index
        %parallel_loop3A_339 = tpu.vector_load %arg9[%parallel_loop3A_336, %parallel_loop3A_337, %parallel_loop3A_338] {strides = array<i32>} : memref<2x64x128xf32, #tpu.memory_space<vmem>>, vector<16xf32>,
        tpu.vector_store %arg9[%parallel_loop3A_336, %parallel_loop3A_337, %parallel_loop3A_338], %parallel_loop3A_334 {strides = array<i32>} : memref<2x64x128xf32, #tpu.memory_space<vmem>>, vector<16xf32>,
      } {sc.loop_unroll_factor = 8 : i64, sc.parallel_access}
      %mul3A_218 = arith.constant 128 : i32
      %mul3A_219 = arith.muli %add3A, %mul3A_218 : i32
      %dma_start3A_220 = arith.constant 1 : i32
      %dma_start3A_221 = arith.constant 0 : i32
      %dma_start3A_222 = arith.constant 0 : i32
      %dma_start3A_223 = tpu.memref_slice %arg9[%dma_start3A_220, %dma_start3A_221, %dma_start3A_222] : memref<2x64x128xf32, #tpu.memory_space<vmem>> -> memref<1x64x128xf32, #tpu.memory_space<vmem>>
      %dma_start3A_224 = tpu.memref_squeeze %dma_start3A_223 : memref<1x64x128xf32, #tpu.memory_space<vmem>> -> memref<64x128xf32, #tpu.memory_space<vmem>>
      %dma_start3A_225 = arith.constant 0 : i32
      %dma_start3A_226 = tpu.memref_slice %arg5[%add3A_143, %dma_start3A_225, %mul3A_219] : memref<50x64x4096xf32, #tpu.memory_space<hbm>> -> memref<1x64x128xf32, #tpu.memory_space<hbm>>
      %dma_start3A_227 = tpu.memref_squeeze %dma_start3A_226 : memref<1x64x128xf32, #tpu.memory_space<hbm>> -> memref<64x128xf32, #tpu.memory_space<hbm>>
      %dma_start3A_228 = arith.constant 0 : i32
      %dma_start3A_229 = tpu.memref_slice %arg5[%add3A_143, %dma_start3A_228, %mul3A_219] : memref<50x64x4096xf32, #tpu.memory_space<hbm>> -> memref<1x64x128xf32, #tpu.memory_space<hbm>>
      %dma_start3A_230 = tpu.memref_squeeze %dma_start3A_229 : memref<1x64x128xf32, #tpu.memory_space<hbm>> -> memref<64x128xf32, #tpu.memory_space<hbm>>
      %dma_start3A_231 = arith.constant 0 : i32
      %dma_start3A_232 = arith.constant 0 : i32
      %dma_start3A_233 = tpu.memref_slice %arg9[%dma_start3A_220, %dma_start3A_231, %dma_start3A_232] : memref<2x64x128xf32, #tpu.memory_space<vmem>> -> memref<1x64x128xf32, #tpu.memory_space<vmem>>
      %dma_start3A_234 = tpu.memref_squeeze %dma_start3A_233 : memref<1x64x128xf32, #tpu.memory_space<vmem>> -> memref<64x128xf32, #tpu.memory_space<vmem>>
      tpu.enqueue_dma source(%dma_start3A_234 : memref<64x128xf32, #tpu.memory_space<vmem>>) target(%dma_start3A_230 : memref<64x128xf32, #tpu.memory_space<hbm>>) target_semaphore(%arg13 : memref<!tpu.dma_semaphore, #tpu.memory_space<semaphore_mem>>)
    }
    %scan3A_16 = arith.constant 25 : i32
    %mul3A_17 = arith.constant 128 : i32
    %mul3A_18 = arith.muli %add3A, %mul3A_17 : i32
    %dma_wait3A = arith.constant 0 : i32
    %dma_wait3A_19 = arith.constant 48 : i32
    %dma_wait3A_20 = arith.constant 0 : i32
    %dma_wait3A_21 = arith.constant 0 : i32
    %dma_wait3A_22 = tpu.memref_slice %arg9[%dma_wait3A, %dma_wait3A_20, %dma_wait3A_21] : memref<2x64x128xf32, #tpu.memory_space<vmem>> -> memref<1x64x128xf32, #tpu.memory_space<vmem>>
    %dma_wait3A_23 = tpu.memref_squeeze %dma_wait3A_22 : memref<1x64x128xf32, #tpu.memory_space<vmem>> -> memref<64x128xf32, #tpu.memory_space<vmem>>
    %dma_wait3A_24 = arith.constant 0 : i32
    %dma_wait3A_25 = tpu.memref_slice %arg5[%dma_wait3A_19, %dma_wait3A_24, %mul3A_18] : memref<50x64x4096xf32, #tpu.memory_space<hbm>> -> memref<1x64x128xf32, #tpu.memory_space<hbm>>
    %dma_wait3A_26 = tpu.memref_squeeze %dma_wait3A_25 : memref<1x64x128xf32, #tpu.memory_space<hbm>> -> memref<64x128xf32, #tpu.memory_space<hbm>>
    %dma_wait3A_27 = arith.constant 0 : i32
    %dma_wait3A_28 = tpu.memref_slice %arg5[%dma_wait3A_19, %dma_wait3A_27, %mul3A_18] : memref<50x64x4096xf32, #tpu.memory_space<hbm>> -> memref<1x64x128xf32, #tpu.memory_space<hbm>>
    %dma_wait3A_29 = tpu.memref_squeeze %dma_wait3A_28 : memref<1x64x128xf32, #tpu.memory_space<hbm>> -> memref<64x128xf32, #tpu.memory_space<hbm>>
    %dma_wait3A_30 = arith.constant 0 : i32
    %dma_wait3A_31 = arith.constant 0 : i32
    %dma_wait3A_32 = tpu.memref_slice %arg9[%dma_wait3A, %dma_wait3A_30, %dma_wait3A_31] : memref<2x64x128xf32, #tpu.memory_space<vmem>> -> memref<1x64x128xf32, #tpu.memory_space<vmem>>
    %dma_wait3A_33 = tpu.memref_squeeze %dma_wait3A_32 : memref<1x64x128xf32, #tpu.memory_space<vmem>> -> memref<64x128xf32, #tpu.memory_space<vmem>>
    tpu.wait_dma2 semaphore(%arg12 : memref<!tpu.dma_semaphore, #tpu.memory_space<semaphore_mem>>) src(%dma_wait3A_33 : memref<64x128xf32, #tpu.memory_space<vmem>>) dst(%dma_wait3A_29 : memref<64x128xf32, #tpu.memory_space<hbm>>)
    %mul3A_34 = arith.constant 128 : i32
    %mul3A_35 = arith.muli %add3A, %mul3A_34 : i32
    %dma_wait3A_36 = arith.constant 1 : i32
    %dma_wait3A_37 = arith.constant 49 : i32
    %dma_wait3A_38 = arith.constant 0 : i32
    %dma_wait3A_39 = arith.constant 0 : i32
    %dma_wait3A_40 = tpu.memref_slice %arg9[%dma_wait3A_36, %dma_wait3A_38, %dma_wait3A_39] : memref<2x64x128xf32, #tpu.memory_space<vmem>> -> memref<1x64x128xf32, #tpu.memory_space<vmem>>
    %dma_wait3A_41 = tpu.memref_squeeze %dma_wait3A_40 : memref<1x64x128xf32, #tpu.memory_space<vmem>> -> memref<64x128xf32, #tpu.memory_space<vmem>>
    %dma_wait3A_42 = arith.constant 0 : i32
    %dma_wait3A_43 = tpu.memref_slice %arg5[%dma_wait3A_37, %dma_wait3A_42, %mul3A_35] : memref<50x64x4096xf32, #tpu.memory_space<hbm>> -> memref<1x64x128xf32, #tpu.memory_space<hbm>>
    %dma_wait3A_44 = tpu.memref_squeeze %dma_wait3A_43 : memref<1x64x128xf32, #tpu.memory_space<hbm>> -> memref<64x128xf32, #tpu.memory_space<hbm>>
    %dma_wait3A_45 = arith.constant 0 : i32
    %dma_wait3A_46 = tpu.memref_slice %arg5[%dma_wait3A_37, %dma_wait3A_45, %mul3A_35] : memref<50x64x4096xf32, #tpu.memory_space<hbm>> -> memref<1x64x128xf32, #tpu.memory_space<hbm>>
    %dma_wait3A_47 = tpu.memref_squeeze %dma_wait3A_46 : memref<1x64x128xf32, #tpu.memory_space<hbm>> -> memref<64x128xf32, #tpu.memory_space<hbm>>
    %dma_wait3A_48 = arith.constant 0 : i32
    %dma_wait3A_49 = arith.constant 0 : i32
    %dma_wait3A_50 = tpu.memref_slice %arg9[%dma_wait3A_36, %dma_wait3A_48, %dma_wait3A_49] : memref<2x64x128xf32, #tpu.memory_space<vmem>> -> memref<1x64x128xf32, #tpu.memory_space<vmem>>
    %dma_wait3A_51 = tpu.memref_squeeze %dma_wait3A_50 : memref<1x64x128xf32, #tpu.memory_space<vmem>> -> memref<64x128xf32, #tpu.memory_space<vmem>>
    tpu.wait_dma2 semaphore(%arg13 : memref<!tpu.dma_semaphore, #tpu.memory_space<semaphore_mem>>) src(%dma_wait3A_51 : memref<64x128xf32, #tpu.memory_space<vmem>>) dst(%dma_wait3A_47 : memref<64x128xf32, #tpu.memory_space<hbm>>)
    return
  }
}

</mosaic_0001>

<sc_bundles>
// kernel: kernel.3.cloned.1.call-start
scs
__scs_entry_jumppad:
0x0: {  	(pc) =	sbr.rel $0x88, $3  }
0x1: {  	(tag) =	ssettag $0x0;
	lr =	simm.s32 $0x1  }
0x2: {  	[smem:$0x3F9F] =	sst lr;
	_ =	strace $0xD0000000  }
0x3: {  	_ = 	snop  }
0x4: {  	_ = 	snop  }
0x5: {  	_ = 	snop  }
0x6: {  	_ = 	snop  }
0x7: {  	_ = 	snop  }
__scs_overlays_trampoline_lowered:
0x8: {  	[smem:$0x3FAE] =	sst s0  }
0x9: {  	[smem:$0x3FAF] =	sst s1  }
0xa: {  	[smem:$0x3FB0] =	sst s2  }
0xb: {  	[smem:$0x3FB1] =	sst s3  }
0xc: {  	[smem:$0x3FB2] =	sst s4  }
0xd: {  	[smem:$0x3FB3] =	sst s5  }
0xe: {  	[smem:$0x3FB4] =	sst s6  }
0xf: {  	[smem:$0x3FB5] =	sst s7  }
0x10: {  	[smem:$0x3FB6] =	sst s8  }
0x11: {  	[smem:$0x3FB7] =	sst s9;
	s0 =	simm.s32 @!p0 $0x0  }
0x12: {  	s1 =	sld [smem:$0x3F9D];
	s0 =	simm.s32 @p0 $0x1  }
0x13: {  	[smem:$0x3FB8] =	sst s0;
	s0 =	simm.s32 @!p1 $0x0  }
0x14: {  	s2 =	sld [smem:$0x3F9C];
	s0 =	simm.s32 @p1 $0x1  }
0x15: {  	[smem:$0x3FB9] =	sst s0;
	s0 =	simm.s32 @!p2 $0x0  }
0x16: {  	s3 =	sld [smem:$0x3FDB];
	s0 =	simm.s32 @p2 $0x1  }
0x17: {  	s4 =	simm.s32 $0x1BF5;
	[smem:$0x3FBB] =	sst s0  }
0x18: {  	s0 =	sld [smem:$0x3F9E];
	_ =	swait.ge [sflag:s4], $0x0  }
0x19: {  	s7 =	sld [smem:$0x3F9F]  }
0x1a: {  	s8 =	sadd.s32 $0xFFFFE003, lr  }
0x1b: {  	s9 =	sadd.s32 $0xFFFFFEF7, lr;
	s5 =	simm.s32 $0xFFFFFFFF;
	p2 =	slt.u32 s8, $0xFFFFF086  }
0x1c: {  	p1 =	slt.u32 s9, $0xF7A;
	s5 =	simm.s32 @!p2 $0x0  }
0x1d: {  	s5 =	simm.s32 @p1 $0x1;
	p0 =	seq.s32 s7, s2  }
0x1e: {  	s7 =	smul.u32 @!p0 $0xF7A, s2;
	p2 =	seq.s32 @!p0 s5, $0x0  }
0x1f: {  	s9 =	smul.u32 $0xF7A, s1;
	s8 =	simm.s32 @!p0 $0x1BF5;
	p2 =	por !p2, p0  }
0x20: {  	[sflag:s8] =	ssyncset.s32 @!p0 $0xFFFFF086;
	s6 =	sadd.s32 @!p0 s3, s7;
	s7 =	simm.s32 @!p0 $0x108  }
0x21: {  	s3 =	sadd.s32 s3, s9;
	s6 =	sadd.s32 @!p0 $0x88, s6;
	s7 =	simm.s32 @p2 $0x1082  }
0x22: {  	[simem:s7], [sflag:s8] =	dma.local @!p0 [hbm:s6], $0xF7A  }
0x23: {  	s9 =	sor.u32 $0xD0000000, s2;
	s6 =	simm.s32 $0x108;
	_ =	swait.ge @!p0 [sflag:s8], $0x0  }
0x24: {  	s3 =	sadd.s32 $0x88, s3;
	s6 =	simm.s32 @!p1 $0x1082;
	[sflag:s4] =	ssyncset.s32 $0xFFFFF086  }
0x25: {  	[simem:s6], [sflag:s4] =	dma.local [hbm:s3], $0xF7A  }
0x26: {  	[smem:$0x3F9F] =	sst s1;
	(tag) =	ssettag s2;
	_ =	strace s9  }
0x27: {  	s1 =	sld [smem:$0x3FAF]  }
0x28: {  	s2 =	sld [smem:$0x3FB0]  }
0x29: {  	s4 =	sld [smem:$0x3FB2]  }
0x2a: {  	p0 =	seq.s32 s5, $0x0;
	s5 =	sld [smem:$0x3FB3]  }
0x2b: {  	s6 =	sld [smem:$0x3FB4]  }
0x2c: {  	s7 =	sld [smem:$0x3FB5]  }
0x2d: {  	s3 =	simm.s32 $0x108;
	s8 =	sld [smem:$0x3FB6]  }
0x2e: {  	s3 =	simm.s32 @!p0 $0x1082;
	s9 =	sld [smem:$0x3FB7]  }
0x2f: {  	lr =	sadd.s32 s0, s3;
	s0 =	sld [smem:$0x3FAE]  }
0x30: {  	s3 =	sld [smem:$0x3FB1]  }
0x31: {  	[smem:$0x3FBA] =	sst s10  }
0x32: {  	s10 =	sld [smem:$0x3FB8];
	_ =	sdelay $0x3  }
0x33: {  	p0 =	seq.s32 s10, $0x1;
	s10 =	sld [smem:$0x3FBA];
	_ =	sdelay $0x3  }
0x34: {  	[smem:$0x3FBA] =	sst s10  }
0x35: {  	s10 =	sld [smem:$0x3FB9];
	_ =	sdelay $0x3  }
0x36: {  	p1 =	seq.s32 s10, $0x1;
	s10 =	sld [smem:$0x3FBA];
	_ =	sdelay $0x3  }
0x37: {  	[smem:$0x3FBA] =	sst s10  }
0x38: {  	s10 =	sld [smem:$0x3FBB]  }
0x39: {  	_ = 	snop;
	(pc) =	sbr.ind lr, $3  }
0x3a: {  	_ = 	snop  }
0x3b: {  	_ = 	snop  }
0x3c: {  	p2 =	seq.s32 s10, $0x1;
	s10 =	sld [smem:$0x3FBA]  }
0x3d: {  	_ =	shalt  }
0x3e: {  	_ =	shalt  }
0x3f: {  	_ =	shalt  }
0x40: {  	_ =	shalt  }
0x41: {  	_ =	shalt  }
0x42: {  	_ =	shalt  }
0x43: {  	_ =	shalt  }
0x44: {  	_ =	shalt  }
0x45: {  	_ =	shalt  }
0x46: {  	_ =	shalt  }
0x47: {  	_ =	shalt  }
0x48: {  	_ =	shalt  }
0x49: {  	_ =	shalt  }
0x4a: {  	_ =	shalt  }
0x4b: {  	_ =	shalt  }
0x4c: {  	_ =	shalt  }
0x4d: {  	_ =	shalt  }
0x4e: {  	_ =	shalt  }
0x4f: {  	_ =	shalt  }
0x50: {  	_ =	shalt  }
0x51: {  	_ =	shalt  }
0x52: {  	_ =	shalt  }
0x53: {  	_ =	shalt  }
0x54: {  	_ =	shalt  }
0x55: {  	_ =	shalt  }
0x56: {  	_ =	shalt  }
0x57: {  	_ =	shalt  }
0x58: {  	_ =	shalt  }
0x59: {  	_ =	shalt  }
0x5a: {  	_ =	shalt  }
0x5b: {  	_ =	shalt  }
0x5c: {  	_ =	shalt  }
0x5d: {  	_ =	shalt  }
0x5e: {  	_ =	shalt  }
0x5f: {  	_ =	shalt  }
0x60: {  	_ =	shalt  }
0x61: {  	_ =	shalt  }
0x62: {  	_ =	shalt  }
0x63: {  	_ =	shalt  }
0x64: {  	_ =	shalt  }
0x65: {  	_ =	shalt  }
0x66: {  	_ =	shalt  }
0x67: {  	_ =	shalt  }
0x68: {  	_ =	shalt  }
0x69: {  	_ =	shalt  }
0x6a: {  	_ =	shalt  }
0x6b: {  	_ =	shalt  }
0x6c: {  	_ =	shalt  }
0x6d: {  	_ =	shalt  }
0x6e: {  	_ =	shalt  }
0x6f: {  	_ =	shalt  }
0x70: {  	_ =	shalt  }
0x71: {  	_ =	shalt  }
0x72: {  	_ =	shalt  }
0x73: {  	_ =	shalt  }
0x74: {  	_ =	shalt  }
0x75: {  	_ =	shalt  }
0x76: {  	_ =	shalt  }
0x77: {  	_ =	shalt  }
0x78: {  	_ =	shalt  }
0x79: {  	_ =	shalt  }
0x7a: {  	_ =	shalt  }
0x7b: {  	_ =	shalt  }
0x7c: {  	_ =	shalt  }
0x7d: {  	_ =	shalt  }
0x7e: {  	_ =	shalt  }
0x7f: {  	_ =	shalt  }
0x80: {  	_ =	shalt  }
0x81: {  	_ =	shalt  }
0x82: {  	_ =	shalt  }
0x83: {  	_ =	shalt  }
0x84: {  	_ =	shalt  }
0x85: {  	_ =	shalt  }
0x86: {  	_ =	shalt  }
0x87: {  	_ =	shalt  }
.Lfunc_end0:
.L_simem_size_0:
called_computation_lowered:
.L_overlay_start_0:
0x88: {  	s2 =	sld [smem:$0x3FD9]  }
0x89: {  	s3 =	sld [smem:$0x3FFE];
	_ =	sdelay $0x1  }
0x8a: {  	s1 =	srdreg.scid  }
0x8b: {  	s0 =	sand.u32 $0x1, s1  }
0x8c: {  	s17 =	sshll.u32 s0, $0xA;
	s2 =	sadd.s32 s3, s2  }
0x8d: {  	s2 =	sadd.s32 s2, s17  }
0x8e: {  	[smem:$0x3FC6] =	sst s2  }
0x8f: {  	_ = 	snop  }
0x90: {  	s2 =	sld [smem:$0x3FD0];
	(tm) =	ssettm $0x1  }
0x91: {  	s18 =	sld [smem:$0x3FFB];
	_ =	sdelay $0x3  }
0x92: {  	_ =	strace s18  }
0x93: {  	s3 =	sld [smem:$0x3FFC];
	_ =	sdelay $0x3  }
0x94: {  	_ =	strace s3  }
0x95: {  	s3 =	sld [smem:$0x3FFD];
	_ =	sdelay $0x3  }
0x96: {  	_ =	strace s3  }
0x97: {  	_ =	strace $0x8FFFFFFF  }
0x98: {  	s19 =	sld [smem:$0x3FDB];
	_ =	sdelay $0x1  }
0x99: {  	s4 =	simm.s32 $_scs_section_size  }
0x9a: {  	s5 =	simm.s32 $_size__tile_overlayer_lowered;
	s6 =	simm.s32 $_tile_overlayer_lowered  }
0x9b: {  	s22 =	simm.s32 $0x1BFF;
	s21 =	sshll.u32 s6, $0x1;
	s3 =	sadd.s32 s4, s19  }
0x9c: {  	s7 =	simm.s32 $0x0;
	s20 =	sshll.u32 s5, $0x1;
	s5 =	sadd.s32 s21, s3  }
0x9d: {  	[timem:s7], [sflag:s22] =	dma.local [hbm:s5], s20  }
0x9e: {  	_ =	swait.ge [sflag:s22], s20  }
0x9f: {  	s4 =	ssub.s32 $0x0, s20;
	[sflag:s22] =	ssyncset.done $0x0  }
0xa0: {  	[sflag:s22] =	ssyncadd.s32 s4;
	_ =	sdelay $0x1  }
0xa1: {  	s23 =	simm.s32 $0x1B8B  }
0xa2: {  	_ =	swait.ge [sflag:s23], $0x1  }
0xa3: {  	[sflag:s23] =	ssyncset.done $0x0  }
0xa4: {  	s25 =	simm.s32 $0x1B8E;
	s24 =	sld [smem:$0x3FFE];
	[sflag:s23] =	ssyncadd.s32 $0xFFFFFFFF  }
0xa5: {  	s26 =	simm.s32 $execute0_lowered;
	[smem:$0x3FD2] =	sst s25  }
0xa6: {  	s5 =	sshll.u32 s26, $0x1;
	_ =	strace $0x80000046;
	[dreg:$0x1] =	wrdreg $0xFFFFFFFF  }
0xa7: {  	s28 =	simm.s32 $_size_execute0_lowered;
	s3 =	sadd.s32 s3, s5;
	[dreg:$0x0] =	wrdreg $0x0  }
0xa8: {  	s5 =	sshll.u32 s28, $0x1;
	[dreg:$0x2] =	wrdreg s3  }
0xa9: {  	[dreg:$0x3] =	wrdreg s5  }
0xaa: {  	[dreg:$0x4] =	wrdreg $0xC0  }
0xab: {  	_ =	task [dreg:s7], $0x5FFFF  }
0xac: {  	[dreg:$0x1] =	wrdreg $0xFFFFFFFF  }
0xad: {  	[dreg:$0x0] =	wrdreg $0x60  }
0xae: {  	[dreg:$0x2] =	wrdreg s24  }
0xaf: {  	[dreg:$0x3] =	wrdreg s2  }
0xb0: {  	[dreg:$0x4] =	wrdreg $0x9  }
0xb1: {  	_ =	task.clear_ibuf [dreg:s7], $0x5FFFF;
	_ =	strace $0x90000046  }
0xb2: {  	s29 =	simm.s32 $0x9;
	_ =	strace $0x80000048  }
0xb3: {  	_ =	swait.ge [sflag:s29], $0x1  }
0xb4: {  	[sflag:s29] =	ssyncadd.s32 $0xFFFFFFFF  }
0xb5: {  	_ =	strace $0x90000048  }
0xb6: {  	_ =	sfence  }
0xb7: {  	s30 =	sld [smem:$0x0];
	_ =	sdelay $0x2  }
0xb8: {  	s31 =	sshll.u32 s1, $0xD;
	s1 =	sshrl.u32 s1, $0x2  }
0xb9: {  	s3 =	sand.u32 $0x4000, s31;
	s1 =	sadd.s32 s1, s30  }
0xba: {  	s0 =	sor.u32 s3, s0;
	s1 =	sshll.u32 s1, $0x11  }
0xbb: {  	s0 =	sor.u32 s1, s0  }
0xbc: {  	s0 =	sadd.s32 $0x8F2B, s0  }
0xbd: {  	[sflag:s0] =	ssyncadd.remote.s32 $0x1  }
0xbe: {  	_ =	sfence.sel $0xFFFF  }
0xbf: {  	[dreg:$0x0] =	wrdreg $0xFFFFFFFF;
	(pc) =	sbr.abs _section_cstart, $3  }
0xc0: {  	[dreg:$0x1] =	wrdreg $0xFFFFFFFF  }
0xc1: {  	_ =	task.clear_ibuf [dreg:s7], $0x2FFFF;
	_ =	strace $0x9FFFFFFF  }
0xc2: {  	(tm) =	ssettm $0x7FFFFFFF  }
0xc3: {  	_ =	shalt  }
tec
execute0_lowered:
.L_overlay_start_1:
0x0: {  	(tag) =	ssettag $0x1  }
0x1: {  	s0 =	rddreg [dreg:$0x0]  }
0x2: {  	s1 =	srdreg.scid;
	s3 =	stileid.u32  }
0x3: {  	s2 =	rddreg [dreg:$0x1];
	s9 =	simm.s32 $0x5;
	s11 =	simm.s32 $0x80  }
0x4: {  	s12 =	simm.s32 $0x3800;
	s13 =	simm.s32 $0x7800;
	s14 =	simm.s32 $0x1  }
0x5: {  	s15 =	simm.s32 $0x400;
	s16 =	simm.s32 $0x8000;
	s17 =	simm.s32 $0xB800  }
0x6: {  	s18 =	simm.s32 $0x2;
	s1 =	sand.u32 $0x1, s1;
	s4 =	sshll.u32 s3, $0x1  }
0x7: {  	s19 =	simm.s32 $0x4;
	s5 =	sor.u32 s1, s4;
	s1 =	ssub.s32 $0x2, s1  }
0x8: {  	v0 =	vlaneseq.u32;
	s3 =	simm.s32 $0x0;
	s4 =	smul.u32 $0x380, s5;
	s6 =	sshrl.u32 s1, $0x1  }
0x9: {  	s20 =	simm.s32 $0xD800;
	v0 =	vmul.u32 $0x80, v0;
	[smem:$0x7FF] =	sst s3;
	s29 =	ssub.s32 s1, s6  }
0xa: {  	s7 =	sadd.s32 s4, s0;
	s4 =	sadd.s32 $0xF49400, s0;
	s0 =	smax.u32 s29, $0x1  }
0xb: {  	_ =	strace $0x80000047;
	v1 =	vor.u32 $0x800, v0;
	s30 =	sadd.s32 $0x7C00, s7;
	[dreg:$0x5] =	wrdreg s0  }
0xc: {  	s21 =	simm.s32 $0x3;
	v2 =	vor.u32 $0x1000, v0;
	v3 =	vor.u32 $0x1800, v0;
	v4 =	vor.u32 $0x2000, v0;
	s31 =	sadd.s32 $0xC00, s7;
	[dreg:$0x3] =	wrdreg s30  }
0xd: {  	s22 =	simm.s32 $0x0;
	v5 =	vor.u32 $0x2800, v0;
	v6 =	vor.u32 $0x3000, v0;
	v7 =	vor.u32 $0x3800, v0;
	s7 =	sshll.u32 s5, $0xA;
	[dreg:$0x4] =	wrdreg s31  }
.LBB2_1:
0xe: {  	s0 =	rddreg [dreg:$0x3]  }
0xf: {  	[tilespmem:s3], [sflag:$0x5] =	stream.linear.gather [hbm4b:s0+s3], $0x1900, $0x38;
	[tilespmem:$0xF800] =	vst v63  }
0x10: {  	_ =	swait.ge [sflag:s9], $0x1900  }
0x11: {  	[sflag:s9] =	ssyncset.done $0x0  }
0x12: {  	s1 =	simm.s32 $0x1C00;
	s31 =	rddreg [dreg:$0x4];
	[sflag:s9] =	ssyncadd.s32 $0xFFFFE700  }
0x13: {  	[tilespmem:s1], [sflag:$0x5] =	stream.linear.gather [hbm4b:s31+s3], $0x1900, $0x38;
	[tilespmem:$0xF800] =	vst v63  }
0x14: {  	_ =	swait.ge [sflag:s9], $0x1900  }
0x15: {  	[sflag:s9] =	ssyncset.done $0x0  }
0x16: {  	s23 =	simm.s32 $0x0;
	[sflag:s9] =	ssyncadd.s32 $0xFFFFE700  }
0x17: {  	[tilespmem:s12], [sflag:$0x1] =	stream.indirect.gather [hbm4b:s4+s11], $0x80, s3, s11, $0xb8;
	[tilespmem:$0xF800] =	vst v63  }
.LBB2_2:
0x18: {  	s24 =	sshllo.u32 s23, $0x1  }
0x19: {  	s0 =	sshll.u32 s24, $0x9  }
0x1a: {  	s25 =	sshrl.u32 s0, $0x2  }
0x1b: {  	[tilespmem:s13], [sflag:$0x2] =	stream.indirect.gather [hbm4b:s4+s11], $0x80, s25, s11, $0xb8;
	[tilespmem:$0xF800] =	vst v63  }
0x1c: {  	_ =	swait.ge [sflag:s14], $0x4000  }
0x1d: {  	p0 =	seq.s32 s23, $0x0;
	[sflag:s14] =	ssyncset.done $0x0  }
0x1e: {  	s0 =	simm.s32 @!p0 $0x3;
	[sflag:s14] =	ssyncadd.s32 $0xFFFFC000  }
0x1f: {  	_ =	swait.ge @!p0 [sflag:s0], $0x2000  }
0x20: {  	s1 =	sshll.u32 s23, $0xA;
	[sflag:s0] =	ssyncset.done @!p0 $0x0  }
0x21: {  	s26 =	sshrl.u32 s1, $0x2;
	[sflag:s0] =	ssyncadd.s32 @!p0 $0xFFFFE000  }
0x22: {  	v15 =	vld [tilespmem:s26+$0x1C00];
	_ =	sdelay $0x3  }
0x23: {  	s8 =	simm.s32 $0x1;
	v14 =	vld [tilespmem:s26+$0x1C10]  }
0x24: {  	s10 =	simm.s32 $0x3;
	v13 =	vld [tilespmem:s26+$0x1C20];
	v9 =	vadd.s32 s8, v15  }
0x25: {  	s5 =	simm.s32 $0x4;
	s0 =	simm.s32 $0x0;
	v12 =	vld [tilespmem:s26+$0x1C30];
	v20 =	vadd.s32 s10, v15;
	v18 =	vadd.s32 v0, v9  }
0x26: {  	s28 =	simm.s32 $0x7;
	v11 =	vld [tilespmem:s26+$0x1C40];
	v8 =	vadd.s32 s0, v15;
	v21 =	vadd.s32 s5, v15;
	v20 =	vadd.s32 v0, v20  }
0x27: {  	s6 =	simm.s32 $0x5;
	s1 =	simm.s32 $0x2;
	v10 =	vld [tilespmem:s26+$0x1C50];
	v16 =	vadd.s32 v0, v8;
	v8 =	vadd.s32 s28, v15;
	v21 =	vadd.s32 v0, v21  }
0x28: {  	v22 =	vadd.s32 s6, v15;
	v9 =	vld [tilespmem:s26+$0x1C60];
	v17 =	vadd.s32 v0, v8;
	v8 =	vadd.s32 s1, v15  }
0x29: {  	s30 =	simm.s32 $0x6;
	v22 =	vadd.s32 v0, v22;
	v19 =	vadd.s32 v0, v8;
	v8 =	vld [tilespmem:s26+$0x1C70]  }
0x2a: {  	v23 =	vadd.s32 s30, v15;
	v18 =	vld.idx.msk [tilespmem:v18+s12+$0x0], $0xffff  }
0x2b: {  	v23 =	vadd.s32 v0, v23;
	v20 =	vld.idx.msk [tilespmem:v20+s12+$0x0], $0xffff  }
0x2c: {  	v25 =	vadd.s32 s8, v14;
	v21 =	vld.idx.msk [tilespmem:v21+s12+$0x0], $0xffff  }
0x2d: {  	v27 =	vadd.s32 s10, v14;
	v25 =	vadd.s32 v1, v25;
	v17 =	vld.idx.msk [tilespmem:v17+s12+$0x0], $0xffff  }
0x2e: {  	s29 =	simm.s32 $0xBA00;
	v24 =	vadd.s32 s28, v14;
	v27 =	vadd.s32 v1, v27;
	v22 =	vld.idx.msk [tilespmem:v22+s12+$0x0], $0xffff  }
0x2f: {  	v28 =	vadd.s32 s5, v14;
	v24 =	vadd.s32 v1, v24;
	v19 =	vld.idx.msk [tilespmem:v19+s12+$0x0], $0xffff;
	[tilespmem:s29+$0xFFFFFE80] =	vst v18  }
0x30: {  	v26 =	vadd.s32 s1, v14;
	v28 =	vadd.s32 v1, v28;
	v23 =	vld.idx.msk [tilespmem:v23+s12+$0x0], $0xffff;
	[tilespmem:s29+$0xFFFFFF80] =	vst v20  }
0x31: {  	v29 =	vadd.s32 s6, v14;
	v26 =	vadd.s32 v1, v26;
	v16 =	vld.idx.msk [tilespmem:v16+s12+$0x0], $0xffff;
	[tilespmem:s29+$0x0] =	vst v21  }
0x32: {  	v18 =	vadd.s32 s30, v14;
	[tilespmem:s29+$0x180] =	vst v17;
	v17 =	vadd.s32 v1, v29;
	v25 =	vld.idx.msk [tilespmem:v25+s12+$0x0], $0xffff  }
0x33: {  	[tilespmem:s29+$0x80] =	vst v22;
	v18 =	vadd.s32 v1, v18;
	v29 =	vadd.s32 s0, v14;
	v27 =	vld.idx.msk [tilespmem:v27+s12+$0x0], $0xffff  }
0x34: {  	v24 =	vld.idx.msk [tilespmem:v24+s12+$0x0], $0xffff;
	[tilespmem:s29+$0xFFFFFF00] =	vst v19;
	v19 =	vadd.s32 s28, v13;
	v20 =	vadd.s32 v1, v29  }
0x35: {  	[tilespmem:s29+$0x100] =	vst v23;
	v28 =	vld.idx.msk [tilespmem:v28+s12+$0x0], $0xffff;
	v29 =	vadd.s32 s8, v13;
	v19 =	vadd.s32 v2, v19  }
0x36: {  	[tilespmem:s29+$0xFFFFFE00] =	vst v16;
	v26 =	vld.idx.msk [tilespmem:v26+s12+$0x0], $0xffff;
	v21 =	vadd.s32 v2, v29;
	v29 =	vadd.s32 s1, v13  }
0x37: {  	v22 =	vadd.s32 v2, v29;
	v29 =	vadd.s32 s10, v13;
	v17 =	vld.idx.msk [tilespmem:v17+s12+$0x0], $0xffff;
	[tilespmem:s29+$0xFFFFFE90] =	vst v25  }
0x38: {  	v23 =	vadd.s32 v2, v29;
	v29 =	vadd.s32 s5, v13;
	v18 =	vld.idx.msk [tilespmem:v18+s12+$0x0], $0xffff;
	[tilespmem:s29+$0xFFFFFF90] =	vst v27  }
0x39: {  	v16 =	vadd.s32 v2, v29;
	[tilespmem:s29+$0x190] =	vst v24;
	v24 =	vadd.s32 s6, v13;
	v20 =	vld.idx.msk [tilespmem:v20+s12+$0x0], $0xffff  }
0x3a: {  	v29 =	vadd.s32 s0, v13;
	[tilespmem:s29+$0x10] =	vst v28;
	v19 =	vld.idx.msk [tilespmem:v19+s12+$0x0], $0xffff;
	v24 =	vadd.s32 v2, v24  }
0x3b: {  	v25 =	vadd.s32 s28, v12;
	v27 =	vadd.s32 v2, v29;
	v21 =	vld.idx.msk [tilespmem:v21+s12+$0x0], $0xffff;
	[tilespmem:s29+$0xFFFFFF10] =	vst v26  }
0x3c: {  	v25 =	vadd.s32 v3, v25;
	v26 =	vadd.s32 s30, v13;
	v22 =	vld.idx.msk [tilespmem:v22+s12+$0x0], $0xffff;
	[tilespmem:s29+$0x90] =	vst v17  }
0x3d: {  	v29 =	vadd.s32 s8, v12;
	v26 =	vadd.s32 v2, v26;
	v23 =	vld.idx.msk [tilespmem:v23+s12+$0x0], $0xffff;
	[tilespmem:s29+$0x110] =	vst v18  }
0x3e: {  	v28 =	vadd.s32 v3, v29;
	v29 =	vadd.s32 s1, v12;
	v16 =	vld.idx.msk [tilespmem:v16+s12+$0x0], $0xffff;
	[tilespmem:s29+$0xFFFFFE10] =	vst v20  }
0x3f: {  	v17 =	vadd.s32 v3, v29;
	v29 =	vadd.s32 s10, v12;
	v24 =	vld.idx.msk [tilespmem:v24+s12+$0x0], $0xffff;
	[tilespmem:s29+$0x1A0] =	vst v19  }
0x40: {  	v19 =	vadd.s32 v3, v29;
	v29 =	vadd.s32 s5, v12;
	v27 =	vld.idx.msk [tilespmem:v27+s12+$0x0], $0xffff;
	[tilespmem:s29+$0xFFFFFEA0] =	vst v21  }
0x41: {  	v21 =	vadd.s32 s6, v12;
	v18 =	vld.idx.msk [tilespmem:v25+s12+$0x0], $0xffff;
	v20 =	vadd.s32 v3, v29;
	[tilespmem:s29+$0xFFFFFF20] =	vst v22  }
0x42: {  	v25 =	vld.idx.msk [tilespmem:v26+s12+$0x0], $0xffff;
	v26 =	vadd.s32 s28, v11;
	v21 =	vadd.s32 v3, v21;
	[tilespmem:s29+$0xFFFFFFA0] =	vst v23  }
0x43: {  	v28 =	vld.idx.msk [tilespmem:v28+s12+$0x0], $0xffff;
	v22 =	vadd.s32 s30, v12;
	v26 =	vadd.s32 v4, v26;
	[tilespmem:s29+$0x20] =	vst v16  }
0x44: {  	v29 =	vadd.s32 s0, v12;
	v22 =	vadd.s32 v3, v22;
	v17 =	vld.idx.msk [tilespmem:v17+s12+$0x0], $0xffff;
	[tilespmem:s29+$0xA0] =	vst v24  }
0x45: {  	v23 =	vadd.s32 v3, v29;
	v29 =	vadd.s32 s8, v11;
	v19 =	vld.idx.msk [tilespmem:v19+s12+$0x0], $0xffff;
	[tilespmem:s29+$0xFFFFFE20] =	vst v27  }
0x46: {  	v16 =	vadd.s32 v4, v29;
	v29 =	vadd.s32 s1, v11;
	v20 =	vld.idx.msk [tilespmem:v20+s12+$0x0], $0xffff;
	[tilespmem:s29+$0x1B0] =	vst v18  }
0x47: {  	v18 =	vadd.s32 v4, v29;
	v29 =	vadd.s32 s10, v11;
	v21 =	vld.idx.msk [tilespmem:v21+s12+$0x0], $0xffff;
	[tilespmem:s29+$0x120] =	vst v25  }
0x48: {  	v27 =	vadd.s32 s5, v11;
	[tilespmem:s29+$0xFFFFFEB0] =	vst v28;
	v24 =	vld.idx.msk [tilespmem:v26+s12+$0x0], $0xffff;
	v26 =	vadd.s32 v4, v29  }
0x49: {  	v25 =	vadd.s32 s28, v10;
	v27 =	vadd.s32 v4, v27;
	v22 =	vld.idx.msk [tilespmem:v22+s12+$0x0], $0xffff;
	[tilespmem:s29+$0xFFFFFF30] =	vst v17  }
0x4a: {  	v28 =	vadd.s32 s6, v11;
	v25 =	vadd.s32 v5, v25;
	v23 =	vld.idx.msk [tilespmem:v23+s12+$0x0], $0xffff;
	[tilespmem:s29+$0xFFFFFFB0] =	vst v19  }
0x4b: {  	v16 =	vld.idx.msk [tilespmem:v16+s12+$0x0], $0xffff;
	v17 =	vadd.s32 v4, v28;
	v28 =	vadd.s32 s30, v11;
	[tilespmem:s29+$0x30] =	vst v20  }
0x4c: {  	v29 =	vadd.s32 s0, v11;
	v19 =	vadd.s32 v4, v28;
	v18 =	vld.idx.msk [tilespmem:v18+s12+$0x0], $0xffff;
	[tilespmem:s29+$0xB0] =	vst v21  }
0x4d: {  	v28 =	vadd.s32 v4, v29;
	v29 =	vadd.s32 s8, v10;
	v26 =	vld.idx.msk [tilespmem:v26+s12+$0x0], $0xffff;
	[tilespmem:s29+$0x1C0] =	vst v24  }
0x4e: {  	v24 =	vadd.s32 v5, v29;
	v29 =	vadd.s32 s1, v10;
	v27 =	vld.idx.msk [tilespmem:v27+s12+$0x0], $0xffff;
	[tilespmem:s29+$0x130] =	vst v22  }
0x4f: {  	[tilespmem:s29+$0xFFFFFE30] =	vst v23;
	v23 =	vadd.s32 s5, v10;
	v20 =	vld.idx.msk [tilespmem:v25+s12+$0x0], $0xffff;
	v25 =	vadd.s32 v5, v29  }
0x50: {  	v21 =	vadd.s32 s28, v9;
	v17 =	vld.idx.msk [tilespmem:v17+s12+$0x0], $0xffff;
	[tilespmem:s29+$0xFFFFFEC0] =	vst v16;
	v16 =	vadd.s32 v5, v23  }
0x51: {  	v21 =	vadd.s32 v6, v21;
	v29 =	vadd.s32 s10, v10;
	v19 =	vld.idx.msk [tilespmem:v19+s12+$0x0], $0xffff  }
0x52: {  	v23 =	vadd.s32 s6, v10;
	v22 =	vadd.s32 v5, v29;
	v28 =	vld.idx.msk [tilespmem:v28+s12+$0x0], $0xffff  }
0x53: {  	[tilespmem:s29+$0xFFFFFF40] =	vst v18;
	v18 =	vadd.s32 v5, v23;
	v23 =	vadd.s32 s30, v10;
	v24 =	vld.idx.msk [tilespmem:v24+s12+$0x0], $0xffff  }
0x54: {  	v29 =	vadd.s32 s0, v10;
	v23 =	vadd.s32 v5, v23;
	[tilespmem:s29+$0x40] =	vst v27;
	v25 =	vld.idx.msk [tilespmem:v25+s12+$0x0], $0xffff  }
0x55: {  	[tilespmem:s29+$0x1D0] =	vst v20;
	v20 =	vadd.s32 v5, v29;
	v29 =	vadd.s32 s8, v9;
	v16 =	vld.idx.msk [tilespmem:v16+s12+$0x0], $0xffff  }
0x56: {  	[tilespmem:s29+$0xFFFFFFC0] =	vst v26;
	v27 =	vadd.s32 s28, v8;
	v21 =	vld.idx.msk [tilespmem:v21+s12+$0x0], $0xffff;
	v26 =	vadd.s32 v6, v29  }
0x57: {  	[tilespmem:s29+$0xC0] =	vst v17;
	v17 =	vadd.s32 v7, v27;
	v22 =	vld.idx.msk [tilespmem:v22+s12+$0x0], $0xffff;
	v29 =	vadd.s32 s1, v9  }
0x58: {  	v27 =	vadd.s32 v6, v29;
	v29 =	vadd.s32 s10, v9;
	[tilespmem:s29+$0x140] =	vst v19;
	v18 =	vld.idx.msk [tilespmem:v18+s12+$0x0], $0xffff  }
0x59: {  	[tilespmem:s29+$0xFFFFFE40] =	vst v28;
	v28 =	vadd.s32 s5, v9;
	v19 =	vadd.s32 v6, v29;
	v23 =	vld.idx.msk [tilespmem:v23+s12+$0x0], $0xffff  }
0x5a: {  	[tilespmem:s29+$0xFFFFFED0] =	vst v24;
	v24 =	vadd.s32 s6, v9;
	v29 =	vld.idx.msk [tilespmem:v20+s12+$0x0], $0xffff;
	v20 =	vadd.s32 v6, v28  }
0x5b: {  	v24 =	vadd.s32 v6, v24;
	v28 =	vld.idx.msk [tilespmem:v26+s12+$0x0], $0xffff;
	v26 =	vadd.s32 s30, v9;
	[tilespmem:s29+$0x1E0] =	vst v21  }
0x5c: {  	s28 =	simm.s32 $0x8;
	[tilespmem:s29+$0xFFFFFF50] =	vst v25;
	v21 =	vadd.s32 s0, v9;
	v25 =	vadd.s32 v6, v26;
	v30 =	vld.idx.msk [tilespmem:v17+s12+$0x0], $0xffff  }
0x5d: {  	[tilespmem:s29+$0xFFFFFFD0] =	vst v22;
	v17 =	vadd.s32 s28, v15;
	v31 =	vadd.s32 v6, v21;
	v32 =	vld.idx.msk [tilespmem:v27+s12+$0x0], $0xffff  }
0x5e: {  	[tilespmem:s29+$0x50] =	vst v16;
	v22 =	vadd.s32 v0, v17;
	v17 =	vadd.s32 s8, v8;
	v21 =	vld.idx.msk [tilespmem:v19+s12+$0x0], $0xffff  }
0x5f: {  	v16 =	vadd.s32 s1, v8;
	[tilespmem:s29+$0xD0] =	vst v18;
	v33 =	vadd.s32 v7, v17;
	v20 =	vld.idx.msk [tilespmem:v20+s12+$0x0], $0xffff  }
0x60: {  	v27 =	vadd.s32 v7, v16;
	[tilespmem:s29+$0x150] =	vst v23;
	v17 =	vadd.s32 s10, v8;
	v18 =	vld.idx.msk [tilespmem:v24+s12+$0x0], $0xffff  }
0x61: {  	v16 =	vadd.s32 s5, v8;
	[tilespmem:s29+$0xFFFFFE50] =	vst v29;
	v26 =	vadd.s32 v7, v17;
	v19 =	vld.idx.msk [tilespmem:v25+s12+$0x0], $0xffff  }
0x62: {  	v23 =	vadd.s32 v7, v16;
	v24 =	vadd.s32 s6, v8;
	[tilespmem:s29+$0xFFFFFEE0] =	vst v28;
	v17 =	vld.idx.msk [tilespmem:v31+s12+$0x0], $0xffff  }
0x63: {  	v24 =	vadd.s32 v7, v24;
	[tilespmem:s29+$0x1F0] =	vst v30;
	v25 =	vadd.s32 s30, v8;
	v16 =	vld.idx.msk [tilespmem:v22+s12+$0x0], $0xffff  }
0x64: {  	s31 =	simm.s32 $0x10;
	v28 =	vadd.s32 s0, v8;
	s30 =	simm.s32 $0xF;
	[tilespmem:s29+$0xFFFFFF60] =	vst v32;
	v25 =	vadd.s32 v7, v25;
	v22 =	vld.idx.msk [tilespmem:v33+s12+$0x0], $0xffff  }
.LBB2_3:
0x65: {  	p1 =	slt.u32 s31, $0x38;
	s1 =	sadd.s32 $0x1, s28;
	v29 =	vadd.s32 s30, v15;
	v28 =	vadd.s32 v7, v28;
	v27 =	vld.idx.msk [tilespmem:v27+s12+$0x0], $0xffff;
	[tilespmem:s29+$0xFFFFFFE0] =	vst v21  }
0x66: {  	s0 =	sadd.s32 $0x2, s28;
	v21 =	vadd.s32 s1, v15;
	v29 =	vadd.s32 v0, v29;
	v26 =	vld.idx.msk [tilespmem:v26+s12+$0x0], $0xffff;
	[tilespmem:s29+$0x60] =	vst v20  }
0x67: {  	s10 =	sadd.s32 $0x3, s28;
	v20 =	vadd.s32 v0, v21;
	v21 =	vadd.s32 s0, v15;
	v23 =	vld.idx.msk [tilespmem:v23+s12+$0x0], $0xffff;
	[tilespmem:s29+$0xE0] =	vst v18  }
0x68: {  	s5 =	sadd.s32 $0x4, s28;
	v18 =	vadd.s32 v0, v21;
	v21 =	vadd.s32 s10, v15;
	v24 =	vld.idx.msk [tilespmem:v24+s12+$0x0], $0xffff;
	[tilespmem:s29+$0x160] =	vst v19  }
0x69: {  	s6 =	sadd.s32 $0x5, s28;
	v19 =	vadd.s32 v0, v21;
	v21 =	vadd.s32 s5, v15;
	[tilespmem:s29+$0xFFFFFE60] =	vst v17;
	v17 =	vld.idx.msk [tilespmem:v25+s12+$0x0], $0xffff  }
0x6a: {  	s8 =	sadd.s32 $0x6, s28;
	v25 =	vadd.s32 s6, v15;
	v21 =	vadd.s32 v0, v21;
	v28 =	vld.idx.msk [tilespmem:v28+s12+$0x0], $0xffff;
	[tilespmem:s29+$0xFFFFFEF0] =	vst v22  }
0x6b: {  	v22 =	vadd.s32 v0, v25;
	v25 =	vadd.s32 s8, v15;
	v29 =	vld.idx.msk [tilespmem:v29+s12+$0x0], $0xffff;
	[tilespmem:s29+$0xFFFFFF70] =	vst v27  }
0x6c: {  	v25 =	vadd.s32 v0, v25;
	v27 =	vadd.s32 s30, v14;
	v20 =	vld.idx.msk [tilespmem:v20+s12+$0x0], $0xffff;
	[tilespmem:s29+$0xFFFFFFF0] =	vst v26  }
0x6d: {  	v26 =	vadd.s32 s1, v14;
	v27 =	vadd.s32 v1, v27;
	v18 =	vld.idx.msk [tilespmem:v18+s12+$0x0], $0xffff;
	[tilespmem:s29+$0x70] =	vst v23  }
0x6e: {  	v23 =	vadd.s32 v1, v26;
	v26 =	vadd.s32 s0, v14;
	v19 =	vld.idx.msk [tilespmem:v19+s12+$0x0], $0xffff;
	[tilespmem:s29+$0xF0] =	vst v24  }
0x6f: {  	v24 =	vadd.s32 v1, v26;
	v26 =	vadd.s32 s10, v14;
	v21 =	vld.idx.msk [tilespmem:v21+s12+$0x0], $0xffff;
	[tilespmem:s29+$0x170] =	vst v17  }
0x70: {  	v17 =	vadd.s32 v1, v26;
	v26 =	vadd.s32 s5, v14;
	v22 =	vld.idx.msk [tilespmem:v22+s12+$0x0], $0xffff;
	[tilespmem:s29+$0xFFFFFE70] =	vst v28;
	s29 =	sadd.s32 $0x400, s29  }
0x71: {  	v26 =	vadd.s32 v1, v26;
	v28 =	vadd.s32 s6, v14;
	v25 =	vld.idx.msk [tilespmem:v25+s12+$0x0], $0xffff;
	[tilespmem:s29+$0x180] =	vst v29  }
0x72: {  	[tilespmem:s29+$0xFFFFFE80] =	vst v20;
	v20 =	vadd.s32 v1, v28;
	v28 =	vadd.s32 s8, v14;
	v27 =	vld.idx.msk [tilespmem:v27+s12+$0x0], $0xffff  }
0x73: {  	v23 =	vld.idx.msk [tilespmem:v23+s12+$0x0], $0xffff;
	[tilespmem:s29+$0xFFFFFF00] =	vst v18;
	v18 =	vadd.s32 v1, v28;
	v28 =	vadd.s32 s30, v13  }
0x74: {  	v29 =	vadd.s32 s28, v14;
	v24 =	vld.idx.msk [tilespmem:v24+s12+$0x0], $0xffff;
	[tilespmem:s29+$0xFFFFFF80] =	vst v19;
	v19 =	vadd.s32 v2, v28  }
0x75: {  	v28 =	vadd.s32 v1, v29;
	v29 =	vadd.s32 s1, v13;
	v17 =	vld.idx.msk [tilespmem:v17+s12+$0x0], $0xffff;
	[tilespmem:s29+$0x0] =	vst v21  }
0x76: {  	v21 =	vadd.s32 v2, v29;
	v29 =	vadd.s32 s0, v13;
	v26 =	vld.idx.msk [tilespmem:v26+s12+$0x0], $0xffff;
	[tilespmem:s29+$0x80] =	vst v22  }
0x77: {  	v22 =	vadd.s32 v2, v29;
	v29 =	vadd.s32 s10, v13;
	v20 =	vld.idx.msk [tilespmem:v20+s12+$0x0], $0xffff;
	[tilespmem:s29+$0x100] =	vst v25  }
0x78: {  	v25 =	vadd.s32 v2, v29;
	v29 =	vadd.s32 s5, v13;
	v18 =	vld.idx.msk [tilespmem:v18+s12+$0x0], $0xffff;
	[tilespmem:s29+$0x190] =	vst v27  }
0x79: {  	v27 =	vadd.s32 s6, v13;
	[tilespmem:s29+$0xFFFFFE00] =	vst v16;
	v16 =	vadd.s32 v2, v29;
	v19 =	vld.idx.msk [tilespmem:v19+s12+$0x0], $0xffff  }
0x7a: {  	v28 =	vld.idx.msk [tilespmem:v28+s12+$0x0], $0xffff;
	[tilespmem:s29+$0xFFFFFE90] =	vst v23;
	v23 =	vadd.s32 v2, v27;
	v27 =	vadd.s32 s30, v12  }
0x7b: {  	v21 =	vld.idx.msk [tilespmem:v21+s12+$0x0], $0xffff;
	[tilespmem:s29+$0xFFFFFF10] =	vst v24;
	v24 =	vadd.s32 s8, v13;
	v27 =	vadd.s32 v3, v27  }
0x7c: {  	v29 =	vadd.s32 s28, v13;
	v22 =	vld.idx.msk [tilespmem:v22+s12+$0x0], $0xffff;
	[tilespmem:s29+$0xFFFFFF90] =	vst v17;
	v17 =	vadd.s32 v2, v24  }
0x7d: {  	v24 =	vadd.s32 v2, v29;
	v29 =	vadd.s32 s1, v12;
	v25 =	vld.idx.msk [tilespmem:v25+s12+$0x0], $0xffff;
	[tilespmem:s29+$0x10] =	vst v26  }
0x7e: {  	v26 =	vadd.s32 v3, v29;
	v29 =	vadd.s32 s0, v12;
	v16 =	vld.idx.msk [tilespmem:v16+s12+$0x0], $0xffff;
	[tilespmem:s29+$0x90] =	vst v20  }
0x7f: {  	v20 =	vadd.s32 v3, v29;
	v29 =	vadd.s32 s10, v12;
	v23 =	vld.idx.msk [tilespmem:v23+s12+$0x0], $0xffff;
	[tilespmem:s29+$0x1A0] =	vst v19  }
0x80: {  	v19 =	vadd.s32 v3, v29;
	v29 =	vadd.s32 s5, v12;
	[tilespmem:s29+$0x110] =	vst v18;
	v18 =	vld.idx.msk [tilespmem:v27+s12+$0x0], $0xffff  }
0x81: {  	v27 =	vadd.s32 v3, v29;
	[tilespmem:s29+$0xFFFFFE10] =	vst v28;
	v17 =	vld.idx.msk [tilespmem:v17+s12+$0x0], $0xffff;
	v28 =	vadd.s32 s30, v11  }
0x82: {  	v24 =	vld.idx.msk [tilespmem:v24+s12+$0x0], $0xffff;
	[tilespmem:s29+$0xFFFFFEA0] =	vst v21;
	v21 =	vadd.s32 s6, v12;
	v28 =	vadd.s32 v4, v28  }
0x83: {  	v26 =	vld.idx.msk [tilespmem:v26+s12+$0x0], $0xffff;
	[tilespmem:s29+$0xFFFFFF20] =	vst v22;
	v21 =	vadd.s32 v3, v21;
	v22 =	vadd.s32 s8, v12  }
0x84: {  	v29 =	vadd.s32 s28, v12;
	v20 =	vld.idx.msk [tilespmem:v20+s12+$0x0], $0xffff;
	[tilespmem:s29+$0xFFFFFFA0] =	vst v25;
	v22 =	vadd.s32 v3, v22  }
0x85: {  	v25 =	vadd.s32 v3, v29;
	v29 =	vadd.s32 s1, v11;
	v19 =	vld.idx.msk [tilespmem:v19+s12+$0x0], $0xffff;
	[tilespmem:s29+$0x20] =	vst v16  }
0x86: {  	v16 =	vadd.s32 v4, v29;
	v29 =	vadd.s32 s0, v11;
	v27 =	vld.idx.msk [tilespmem:v27+s12+$0x0], $0xffff;
	[tilespmem:s29+$0x1B0] =	vst v18  }
0x87: {  	v18 =	vadd.s32 v4, v29;
	v29 =	vadd.s32 s10, v11;
	[tilespmem:s29+$0xA0] =	vst v23;
	v23 =	vld.idx.msk [tilespmem:v28+s12+$0x0], $0xffff  }
0x88: {  	v28 =	vadd.s32 v4, v29;
	v21 =	vld.idx.msk [tilespmem:v21+s12+$0x0], $0xffff;
	[tilespmem:s29+$0x120] =	vst v17;
	v17 =	vadd.s32 s30, v10  }
0x89: {  	[tilespmem:s29+$0xFFFFFE20] =	vst v24;
	v24 =	vadd.s32 s5, v11;
	v22 =	vld.idx.msk [tilespmem:v22+s12+$0x0], $0xffff;
	v17 =	vadd.s32 v5, v17  }
0x8a: {  	v25 =	vld.idx.msk [tilespmem:v25+s12+$0x0], $0xffff;
	[tilespmem:s29+$0xFFFFFEB0] =	vst v26;
	v24 =	vadd.s32 v4, v24;
	v26 =	vadd.s32 s6, v11  }
0x8b: {  	v16 =	vld.idx.msk [tilespmem:v16+s12+$0x0], $0xffff;
	[tilespmem:s29+$0xFFFFFF30] =	vst v20;
	v20 =	vadd.s32 v4, v26;
	v26 =	vadd.s32 s8, v11  }
0x8c: {  	v29 =	vadd.s32 s28, v11;
	v18 =	vld.idx.msk [tilespmem:v18+s12+$0x0], $0xffff;
	[tilespmem:s29+$0xFFFFFFB0] =	vst v19;
	v19 =	vadd.s32 v4, v26  }
0x8d: {  	v26 =	vadd.s32 v4, v29;
	v29 =	vadd.s32 s1, v10;
	v28 =	vld.idx.msk [tilespmem:v28+s12+$0x0], $0xffff;
	[tilespmem:s29+$0x1C0] =	vst v23  }
0x8e: {  	v23 =	vadd.s32 v5, v29;
	v29 =	vadd.s32 s0, v10;
	[tilespmem:s29+$0x30] =	vst v27;
	v17 =	vld.idx.msk [tilespmem:v17+s12+$0x0], $0xffff  }
0x8f: {  	v27 =	vadd.s32 v5, v29;
	v24 =	vld.idx.msk [tilespmem:v24+s12+$0x0], $0xffff;
	[tilespmem:s29+$0xB0] =	vst v21;
	v21 =	vadd.s32 s30, v9  }
0x90: {  	v29 =	vadd.s32 s10, v10;
	v20 =	vld.idx.msk [tilespmem:v20+s12+$0x0], $0xffff;
	[tilespmem:s29+$0x130] =	vst v22;
	v21 =	vadd.s32 v6, v21  }
0x91: {  	v22 =	vadd.s32 v5, v29;
	[tilespmem:s29+$0xFFFFFE30] =	vst v25;
	v25 =	vadd.s32 s5, v10;
	v19 =	vld.idx.msk [tilespmem:v19+s12+$0x0], $0xffff  }
0x92: {  	v26 =	vld.idx.msk [tilespmem:v26+s12+$0x0], $0xffff;
	[tilespmem:s29+$0xFFFFFEC0] =	vst v16;
	v16 =	vadd.s32 v5, v25;
	v25 =	vadd.s32 s6, v10  }
0x93: {  	v23 =	vld.idx.msk [tilespmem:v23+s12+$0x0], $0xffff;
	[tilespmem:s29+$0xFFFFFF40] =	vst v18;
	v18 =	vadd.s32 v5, v25;
	v25 =	vadd.s32 s8, v10  }
0x94: {  	v29 =	vadd.s32 s28, v10;
	v27 =	vld.idx.msk [tilespmem:v27+s12+$0x0], $0xffff;
	v25 =	vadd.s32 v5, v25;
	[tilespmem:s29+$0x1D0] =	vst v17  }
0x95: {  	v17 =	vadd.s32 v5, v29;
	v29 =	vadd.s32 s1, v9;
	[tilespmem:s29+$0xFFFFFFC0] =	vst v28;
	v21 =	vld.idx.msk [tilespmem:v21+s12+$0x0], $0xffff  }
0x96: {  	v28 =	vadd.s32 v6, v29;
	v22 =	vld.idx.msk [tilespmem:v22+s12+$0x0], $0xffff;
	[tilespmem:s29+$0x40] =	vst v24;
	v24 =	vadd.s32 s30, v8  }
0x97: {  	v29 =	vadd.s32 s0, v9;
	v16 =	vld.idx.msk [tilespmem:v16+s12+$0x0], $0xffff;
	[tilespmem:s29+$0xC0] =	vst v20;
	v20 =	vadd.s32 v7, v24  }
0x98: {  	v24 =	vadd.s32 v6, v29;
	v29 =	vadd.s32 s10, v9;
	v18 =	vld.idx.msk [tilespmem:v18+s12+$0x0], $0xffff;
	[tilespmem:s29+$0x140] =	vst v19  }
0x99: {  	v19 =	vadd.s32 v6, v29;
	[tilespmem:s29+$0xFFFFFE40] =	vst v26;
	v26 =	vadd.s32 s5, v9;
	v25 =	vld.idx.msk [tilespmem:v25+s12+$0x0], $0xffff  }
0x9a: {  	v17 =	vld.idx.msk [tilespmem:v17+s12+$0x0], $0xffff;
	[tilespmem:s29+$0xFFFFFED0] =	vst v23;
	v23 =	vadd.s32 v6, v26;
	v26 =	vadd.s32 s6, v9  }
0x9b: {  	v29 =	vadd.s32 s8, v9;
	v28 =	vld.idx.msk [tilespmem:v28+s12+$0x0], $0xffff;
	v26 =	vadd.s32 v6, v26;
	[tilespmem:s29+$0x1E0] =	vst v21  }
0x9c: {  	v29 =	vadd.s32 v6, v29;
	v21 =	vadd.s32 s28, v9;
	[tilespmem:s29+$0xFFFFFF50] =	vst v27;
	v30 =	vld.idx.msk [tilespmem:v20+s12+$0x0], $0xffff  }
0x9d: {  	v20 =	vadd.s32 s31, v15;
	v31 =	vadd.s32 v6, v21;
	v32 =	vld.idx.msk [tilespmem:v24+s12+$0x0], $0xffff;
	[tilespmem:s29+$0xFFFFFFD0] =	vst v22  }
0x9e: {  	v22 =	vadd.s32 v0, v20;
	v20 =	vadd.s32 s1, v8;
	v21 =	vld.idx.msk [tilespmem:v19+s12+$0x0], $0xffff;
	[tilespmem:s29+$0x50] =	vst v16  }
0x9f: {  	v33 =	vadd.s32 v7, v20;
	v16 =	vadd.s32 s0, v8;
	v20 =	vld.idx.msk [tilespmem:v23+s12+$0x0], $0xffff;
	[tilespmem:s29+$0xD0] =	vst v18  }
.Ltmp0:
0xa0: {  	v27 =	vadd.s32 v7, v16;
	v16 =	vadd.s32 s10, v8;
	v18 =	vld.idx.msk [tilespmem:v26+s12+$0x0], $0xffff;
	[tilespmem:s29+$0x150] =	vst v25;
	(pc) =	sbr.rel @p1 .LBB2_3-.Ltmp0, $4  }
0xa1: {  	v26 =	vadd.s32 v7, v16;
	v16 =	vadd.s32 s5, v8;
	[tilespmem:s29+$0xFFFFFE50] =	vst v17;
	v19 =	vld.idx.msk [tilespmem:v29+s12+$0x0], $0xffff  }
0xa2: {  	v24 =	vadd.s32 s6, v8;
	v23 =	vadd.s32 v7, v16;
	v17 =	vld.idx.msk [tilespmem:v31+s12+$0x0], $0xffff;
	[tilespmem:s29+$0x1F0] =	vst v30  }
0xa3: {  	v24 =	vadd.s32 v7, v24;
	v25 =	vadd.s32 s8, v8;
	v16 =	vld.idx.msk [tilespmem:v22+s12+$0x0], $0xffff;
	[tilespmem:s29+$0xFFFFFEE0] =	vst v28  }
0xa4: {  	s30 =	sadd.s32 $0x7, s31;
	v25 =	vadd.s32 v7, v25;
	v28 =	vadd.s32 s28, v8;
	s28 =	smov.u32 s31;
	s31 =	sadd.s32 $0x8, s31;
	v22 =	vld.idx.msk [tilespmem:v33+s12+$0x0], $0xffff;
	[tilespmem:s29+$0xFFFFFF60] =	vst v32  }
0xa5: {  	_ =	sdelay $0x2  }
0xa6: {  	[tilespmem:s29+$0xFFFFFFE0] =	vst v21;
	v38 =	vadd.s32 s30, v15  }
0xa7: {  	s0 =	sadd.s32 $0x1, s28;
	v28 =	vadd.s32 v7, v28;
	v27 =	vld.idx.msk [tilespmem:v27+s12+$0x0], $0xffff;
	[tilespmem:s29+$0x60] =	vst v20;
	v48 =	vadd.s32 s30, v14;
	v60 =	vadd.s32 s28, v14  }
0xa8: {  	s1 =	sadd.s32 $0x2, s28;
	[tilespmem:s29+$0xE0] =	vst v18;
	s6 =	sadd.s32 $0x3, s28;
	s8 =	sadd.s32 $0x4, s28;
	v39 =	vadd.s32 s0, v15;
	v21 =	vadd.s32 v0, v38;
	v26 =	vld.idx.msk [tilespmem:v26+s12+$0x0], $0xffff;
	v50 =	vadd.s32 s0, v14  }
0xa9: {  	s10 =	sadd.s32 $0x5, s28;
	s31 =	sadd.s32 $0x6, s28;
	[tilespmem:s29+$0x160] =	vst v19;
	v51 =	vadd.s32 s1, v14;
	v52 =	vadd.s32 s6, v14;
	v54 =	vadd.s32 s8, v14  }
0xaa: {  	s5 =	sadd.s32 $0x400, s29;
	v23 =	vld.idx.msk [tilespmem:v23+s12+$0x0], $0xffff;
	v56 =	vadd.s32 s10, v14;
	v59 =	vadd.s32 s31, v14;
	v14 =	vadd.s32 v1, v60;
	[tilespmem:s29+$0xFFFFFE60] =	vst v17  }
0xab: {  	v41 =	vadd.s32 s1, v15;
	v24 =	vld.idx.msk [tilespmem:v24+s12+$0x0], $0xffff;
	v40 =	vadd.s32 v0, v39;
	[tilespmem:s5+$0xFFFFFE00] =	vst v16  }
0xac: {  	v43 =	vadd.s32 s6, v15;
	v42 =	vadd.s32 v0, v41;
	v25 =	vld.idx.msk [tilespmem:v25+s12+$0x0], $0xffff;
	[tilespmem:s29+$0xFFFFFEF0] =	vst v22  }
0xad: {  	v45 =	vadd.s32 s8, v15;
	v44 =	vadd.s32 v0, v43;
	v28 =	vld.idx.msk [tilespmem:v28+s12+$0x0], $0xffff;
	[tilespmem:s29+$0xFFFFFF70] =	vst v27  }
0xae: {  	v47 =	vadd.s32 s31, v15;
	v20 =	vadd.s32 v0, v45;
	v21 =	vld.idx.msk [tilespmem:v21+s12+$0x0], $0xffff;
	[tilespmem:s29+$0xFFFFFFF0] =	vst v26  }
0xaf: {  	v46 =	vadd.s32 s10, v15;
	v15 =	vadd.s32 v0, v47;
	[tilespmem:s29+$0x70] =	vst v23;
	v14 =	vld.idx.msk [tilespmem:v14+s12+$0x0], $0xffff  }
0xb0: {  	v22 =	vadd.s32 v0, v46;
	[tilespmem:s29+$0xF0] =	vst v24;
	v18 =	vld.idx.msk [tilespmem:v40+s12+$0x0], $0xffff  }
0xb1: {  	v49 =	vadd.s32 v1, v48;
	v19 =	vld.idx.msk [tilespmem:v42+s12+$0x0], $0xffff;
	[tilespmem:s29+$0x170] =	vst v25  }
0xb2: {  	v24 =	vadd.s32 v1, v50;
	v17 =	vld.idx.msk [tilespmem:v44+s12+$0x0], $0xffff;
	[tilespmem:s29+$0xFFFFFE70] =	vst v28  }
0xb3: {  	v20 =	vld.idx.msk [tilespmem:v20+s12+$0x0], $0xffff;
	v25 =	vadd.s32 v1, v51;
	[tilespmem:s5+$0x180] =	vst v21  }
0xb4: {  	v58 =	vadd.s32 s30, v13;
	v36 =	vadd.s32 s28, v13;
	v53 =	vadd.s32 v1, v52;
	v15 =	vld.idx.msk [tilespmem:v15+s12+$0x0], $0xffff;
	[tilespmem:s5+$0xFFFFFE10] =	vst v14  }
0xb5: {  	v62 =	vadd.s32 s0, v13;
	v29 =	vadd.s32 s6, v13;
	v55 =	vadd.s32 v1, v54;
	v22 =	vld.idx.msk [tilespmem:v22+s12+$0x0], $0xffff;
	[tilespmem:s5+$0xFFFFFE80] =	vst v18  }
0xb6: {  	v31 =	vadd.s32 s8, v13;
	v34 =	vadd.s32 s10, v13;
	v57 =	vadd.s32 v1, v56;
	v23 =	vld.idx.msk [tilespmem:v49+s12+$0x0], $0xffff;
	[tilespmem:s5+$0xFFFFFF00] =	vst v19  }
0xb7: {  	v35 =	vadd.s32 s31, v13;
	v28 =	vadd.s32 s1, v13;
	v13 =	vadd.s32 v2, v36;
	[tilespmem:s5+$0xFFFFFF80] =	vst v17;
	v24 =	vld.idx.msk [tilespmem:v24+s12+$0x0], $0xffff  }
0xb8: {  	[tilespmem:s5+$0x0] =	vst v20;
	v17 =	vadd.s32 v1, v59;
	v61 =	vld.idx.msk [tilespmem:v25+s12+$0x0], $0xffff  }
0xb9: {  	v26 =	vadd.s32 v2, v58;
	[tilespmem:s5+$0x100] =	vst v15;
	v21 =	vld.idx.msk [tilespmem:v53+s12+$0x0], $0xffff  }
0xba: {  	v63 =	vadd.s32 v2, v62;
	v18 =	vld.idx.msk [tilespmem:v55+s12+$0x0], $0xffff;
	[tilespmem:s5+$0x80] =	vst v22  }
0xbb: {  	v33 =	vadd.s32 s30, v12;
	v38 =	vadd.s32 s0, v12;
	v22 =	vadd.s32 v2, v28;
	v19 =	vld.idx.msk [tilespmem:v57+s12+$0x0], $0xffff;
	[tilespmem:s5+$0x190] =	vst v23  }
0xbc: {  	v48 =	vadd.s32 s31, v12;
	v30 =	vadd.s32 v2, v29;
	v39 =	vadd.s32 s1, v12;
	v13 =	vld.idx.msk [tilespmem:v13+s12+$0x0], $0xffff;
	[tilespmem:s5+$0xFFFFFE90] =	vst v24  }
0xbd: {  	v41 =	vadd.s32 s6, v12;
	v20 =	vadd.s32 v2, v34;
	v49 =	vadd.s32 s28, v12;
	v17 =	vld.idx.msk [tilespmem:v17+s12+$0x0], $0xffff;
	[tilespmem:s5+$0xFFFFFF10] =	vst v61  }
0xbe: {  	v45 =	vadd.s32 s8, v12;
	v46 =	vadd.s32 s10, v12;
	v12 =	vadd.s32 v3, v49;
	v32 =	vld.idx.msk [tilespmem:v26+s12+$0x0], $0xffff;
	[tilespmem:s5+$0xFFFFFF90] =	vst v21  }
0xbf: {  	v23 =	vadd.s32 v2, v31;
	[tilespmem:s5+$0x10] =	vst v18;
	v15 =	vld.idx.msk [tilespmem:v63+s12+$0x0], $0xffff  }
0xc0: {  	v21 =	vadd.s32 v2, v35;
	v37 =	vld.idx.msk [tilespmem:v22+s12+$0x0], $0xffff;
	[tilespmem:s5+$0x90] =	vst v19  }
0xc1: {  	v24 =	vadd.s32 v3, v33;
	v16 =	vld.idx.msk [tilespmem:v30+s12+$0x0], $0xffff;
	[tilespmem:s5+$0xFFFFFE20] =	vst v13  }
0xc2: {  	v19 =	vadd.s32 v3, v38;
	v42 =	vld.idx.msk [tilespmem:v20+s12+$0x0], $0xffff;
	[tilespmem:s5+$0x110] =	vst v17  }
0xc3: {  	v52 =	vadd.s32 s1, v11;
	v56 =	vadd.s32 s8, v11;
	v40 =	vadd.s32 v3, v39;
	v12 =	vld.idx.msk [tilespmem:v12+s12+$0x0], $0xffff;
	[tilespmem:s5+$0x1A0] =	vst v32  }
0xc4: {  	v43 =	vadd.s32 v3, v41;
	v50 =	vadd.s32 s0, v11;
	v58 =	vadd.s32 s31, v11;
	v23 =	vld.idx.msk [tilespmem:v23+s12+$0x0], $0xffff;
	[tilespmem:s5+$0xFFFFFEA0] =	vst v15  }
0xc5: {  	v44 =	vadd.s32 s30, v11;
	v59 =	vadd.s32 s28, v11;
	v18 =	vadd.s32 v3, v46;
	v21 =	vld.idx.msk [tilespmem:v21+s12+$0x0], $0xffff;
	[tilespmem:s5+$0xFFFFFF20] =	vst v37  }
0xc6: {  	v55 =	vadd.s32 s6, v11;
	v57 =	vadd.s32 s10, v11;
	v11 =	vadd.s32 v4, v59;
	v24 =	vld.idx.msk [tilespmem:v24+s12+$0x0], $0xffff;
	[tilespmem:s5+$0xFFFFFFA0] =	vst v16  }
0xc7: {  	v15 =	vadd.s32 v3, v45;
	v47 =	vld.idx.msk [tilespmem:v19+s12+$0x0], $0xffff;
	[tilespmem:s5+$0xA0] =	vst v42  }
0xc8: {  	v22 =	vadd.s32 v4, v44;
	v17 =	vld.idx.msk [tilespmem:v40+s12+$0x0], $0xffff;
	[tilespmem:s5+$0xFFFFFE30] =	vst v12  }
0xc9: {  	v19 =	vadd.s32 v3, v48;
	v20 =	vld.idx.msk [tilespmem:v43+s12+$0x0], $0xffff;
	[tilespmem:s5+$0x20] =	vst v23  }
0xca: {  	v60 =	vadd.s32 s0, v10;
	v54 =	vadd.s32 s30, v10;
	v51 =	vadd.s32 v4, v50;
	v18 =	vld.idx.msk [tilespmem:v18+s12+$0x0], $0xffff;
	[tilespmem:s5+$0x120] =	vst v21  }
0xcb: {  	v62 =	vadd.s32 s1, v10;
	v29 =	vadd.s32 s28, v10;
	v53 =	vadd.s32 v4, v52;
	v11 =	vld.idx.msk [tilespmem:v11+s12+$0x0], $0xffff;
	[tilespmem:s5+$0x1B0] =	vst v24  }
0xcc: {  	v27 =	vadd.s32 s10, v10;
	v28 =	vadd.s32 s31, v10;
	v13 =	vadd.s32 v4, v55;
	v15 =	vld.idx.msk [tilespmem:v15+s12+$0x0], $0xffff;
	[tilespmem:s5+$0xFFFFFEB0] =	vst v47  }
0xcd: {  	v26 =	vadd.s32 s8, v10;
	v24 =	vadd.s32 s6, v10;
	v10 =	vadd.s32 v5, v29;
	v22 =	vld.idx.msk [tilespmem:v22+s12+$0x0], $0xffff;
	[tilespmem:s5+$0xFFFFFF30] =	vst v17  }
0xce: {  	v16 =	vadd.s32 v4, v56;
	v19 =	vld.idx.msk [tilespmem:v19+s12+$0x0], $0xffff;
	[tilespmem:s5+$0xFFFFFFB0] =	vst v20  }
0xcf: {  	v17 =	vadd.s32 v4, v57;
	v14 =	vld.idx.msk [tilespmem:v51+s12+$0x0], $0xffff;
	[tilespmem:s5+$0xB0] =	vst v18  }
0xd0: {  	v23 =	vadd.s32 v5, v54;
	v21 =	vld.idx.msk [tilespmem:v53+s12+$0x0], $0xffff;
	[tilespmem:s5+$0xFFFFFE40] =	vst v11  }
0xd1: {  	v20 =	vadd.s32 v4, v58;
	v13 =	vld.idx.msk [tilespmem:v13+s12+$0x0], $0xffff;
	[tilespmem:s5+$0x30] =	vst v15  }
0xd2: {  	v41 =	vadd.s32 s31, v9;
	v39 =	vadd.s32 s10, v9;
	v63 =	vadd.s32 v5, v62;
	v10 =	vld.idx.msk [tilespmem:v10+s12+$0x0], $0xffff;
	[tilespmem:s5+$0x1C0] =	vst v22  }
0xd3: {  	v61 =	vadd.s32 s30, v9;
	v33 =	vadd.s32 s1, v9;
	v25 =	vadd.s32 v5, v24;
	[tilespmem:s5+$0x130] =	vst v19;
	v16 =	vld.idx.msk [tilespmem:v16+s12+$0x0], $0xffff  }
0xd4: {  	v35 =	vadd.s32 s6, v9;
	v43 =	vadd.s32 s28, v9;
	v15 =	vadd.s32 v5, v60;
	v17 =	vld.idx.msk [tilespmem:v17+s12+$0x0], $0xffff;
	[tilespmem:s5+$0xFFFFFEC0] =	vst v14  }
0xd5: {  	v32 =	vadd.s32 s0, v9;
	v37 =	vadd.s32 s8, v9;
	v9 =	vadd.s32 v6, v43;
	v22 =	vld.idx.msk [tilespmem:v23+s12+$0x0], $0xffff;
	[tilespmem:s5+$0xFFFFFF40] =	vst v21  }
0xd6: {  	v19 =	vadd.s32 v5, v26;
	v20 =	vld.idx.msk [tilespmem:v20+s12+$0x0], $0xffff;
	[tilespmem:s5+$0xFFFFFFC0] =	vst v13  }
0xd7: {  	v21 =	vadd.s32 v5, v27;
	v12 =	vld.idx.msk [tilespmem:v63+s12+$0x0], $0xffff;
	[tilespmem:s5+$0xFFFFFE50] =	vst v10  }
0xd8: {  	v18 =	vadd.s32 v6, v61;
	v14 =	vld.idx.msk [tilespmem:v25+s12+$0x0], $0xffff;
	[tilespmem:s5+$0x40] =	vst v16  }
0xd9: {  	v49 =	vadd.s32 s6, v8;
	v52 =	vadd.s32 s8, v8;
	v30 =	vadd.s32 v5, v28;
	v15 =	vld.idx.msk [tilespmem:v15+s12+$0x0], $0xffff;
	[tilespmem:s5+$0xC0] =	vst v17  }
0xda: {  	v31 =	vadd.s32 s30, v8;
	v46 =	vadd.s32 s1, v8;
	v34 =	vadd.s32 v6, v33;
	v9 =	vld.idx.msk [tilespmem:v9+s12+$0x0], $0xffff;
	[tilespmem:s5+$0x1D0] =	vst v22  }
0xdb: {  	v36 =	vadd.s32 v6, v35;
	v55 =	vadd.s32 s10, v8;
	v45 =	vadd.s32 s0, v8;
	[tilespmem:s5+$0x140] =	vst v20;
	v19 =	vld.idx.msk [tilespmem:v19+s12+$0x0], $0xffff  }
0xdc: {  	v57 =	vadd.s32 s31, v8;
	v8 =	vadd.s32 s28, v8;
	v17 =	vadd.s32 v6, v32;
	v21 =	vld.idx.msk [tilespmem:v21+s12+$0x0], $0xffff;
	[tilespmem:s5+$0xFFFFFF50] =	vst v12  }
0xdd: {  	v8 =	vadd.s32 v7, v8;
	v18 =	vld.idx.msk [tilespmem:v18+s12+$0x0], $0xffff;
	[tilespmem:s5+$0xFFFFFFD0] =	vst v14  }
0xde: {  	v38 =	vadd.s32 v6, v37;
	v13 =	vld.idx.msk [tilespmem:v30+s12+$0x0], $0xffff;
	[tilespmem:s5+$0xFFFFFED0] =	vst v15  }
0xdf: {  	v40 =	vadd.s32 v6, v39;
	v11 =	vld.idx.msk [tilespmem:v34+s12+$0x0], $0xffff;
	[tilespmem:s5+$0xFFFFFE60] =	vst v9  }
0xe0: {  	v16 =	vadd.s32 v7, v31;
	v15 =	vld.idx.msk [tilespmem:v36+s12+$0x0], $0xffff;
	[tilespmem:s5+$0x50] =	vst v19  }
0xe1: {  	v44 =	vadd.s32 v6, v41;
	v42 =	vld.idx.msk [tilespmem:v17+s12+$0x0], $0xffff;
	[tilespmem:s5+$0xD0] =	vst v21  }
0xe2: {  	v48 =	vadd.s32 v7, v46;
	v8 =	vld.idx.msk [tilespmem:v8+s12+$0x0], $0xffff;
	[tilespmem:s5+$0x1E0] =	vst v18  }
0xe3: {  	v51 =	vadd.s32 v7, v49;
	[tilespmem:s5+$0x150] =	vst v13;
	v47 =	vld.idx.msk [tilespmem:v38+s12+$0x0], $0xffff  }
0xe4: {  	v19 =	vadd.s32 v7, v45;
	v50 =	vld.idx.msk [tilespmem:v40+s12+$0x0], $0xffff;
	[tilespmem:s5+$0xFFFFFF60] =	vst v11  }
0xe5: {  	v54 =	vadd.s32 v7, v52;
	v16 =	vld.idx.msk [tilespmem:v16+s12+$0x0], $0xffff;
	[tilespmem:s5+$0xFFFFFFE0] =	vst v15  }
0xe6: {  	v56 =	vadd.s32 v7, v55;
	v53 =	vld.idx.msk [tilespmem:v44+s12+$0x0], $0xffff;
	[tilespmem:s5+$0xFFFFFEE0] =	vst v42  }
0xe7: {  	v59 =	vadd.s32 v7, v57;
	v60 =	vld.idx.msk [tilespmem:v48+s12+$0x0], $0xffff;
	[tilespmem:s5+$0xFFFFFE70] =	vst v8  }
0xe8: {  	v12 =	vld.idx.msk [tilespmem:v51+s12+$0x0], $0xffff;
	[tilespmem:s5+$0x60] =	vst v47  }
0xe9: {  	v58 =	vld.idx.msk [tilespmem:v19+s12+$0x0], $0xffff;
	[tilespmem:s5+$0xE0] =	vst v50  }
0xea: {  	[tilespmem:s5+$0x1F0] =	vst v16;
	v61 =	vld.idx.msk [tilespmem:v54+s12+$0x0], $0xffff  }
0xeb: {  	[tilespmem:s5+$0x160] =	vst v53;
	v62 =	vld.idx.msk [tilespmem:v56+s12+$0x0], $0xffff  }
0xec: {  	v63 =	vld.idx.msk [tilespmem:v59+s12+$0x0], $0xffff;
	[tilespmem:s5+$0xFFFFFF70] =	vst v60  }
0xed: {  	p1 =	sne.s32 s23, $0x18;
	[tilespmem:s5+$0xFFFFFFF0] =	vst v12  }
.Ltmp1:
0xee: {  	s31 =	sshll.u32 s23, $0x13;
	[tilespmem:s5+$0xFFFFFEF0] =	vst v58;
	(pc) =	sbr.rel @p1 .LBB2_6-.Ltmp1, $4  }
0xef: {  	s0 =	sor.u32 s7, s31;
	[tilespmem:s5+$0x70] =	vst v61  }
0xf0: {  	s0 =	sshrl.u32 s0, $0x3;
	[tilespmem:s5+$0xF0] =	vst v62  }
0xf1: {  	s0 =	sadd.s32 s2, s0;
	[tilespmem:s5+$0x170] =	vst v63  }
0xf2: {  	[hbm4b:s0+s15] =	stream.strided.scatter [tilespmem:s17], [sflag:$0x3], $0x2000, s16, s15, $0x38;
	[tilespmem:$0xF800] =	vst v63  }
.Ltmp2:
0xf3: {  	(pc) =	sbr.rel .LBB2_7-.Ltmp2, $4  }
0xf4: {  	_ = 	snop  }
0xf5: {  	_ =	swait.ge [sflag:s18], $0x4000  }
0xf6: {  	[sflag:s18] =	ssyncset.done $0x0  }
0xf7: {  	[sflag:s18] =	ssyncadd.s32 $0xFFFFC000  }
.LBB2_6:
.Ltmp3:
0xf8: {  	s0 =	sadd.s32 $0x100, s26;
	(pc) =	sbr.rel @p0 .LBB2_8-.Ltmp3, $4  }
0xf9: {  	[tilespmem:s12], [sflag:$0x1] =	stream.indirect.gather [hbm4b:s4+s11], $0x80, s0, s11, $0xb8;
	[tilespmem:$0xF800] =	vst v63  }
0xfa: {  	_ =	swait.ge [sflag:s18], $0x4000  }
0xfb: {  	[sflag:s18] =	ssyncset.done $0x0  }
0xfc: {  	[sflag:s18] =	ssyncadd.s32 $0xFFFFC000  }
.LBB2_7:
0xfd: {  	_ =	swait.ge [sflag:s19], $0x2000  }
0xfe: {  	[sflag:s19] =	ssyncset.done $0x0  }
0xff: {  	[sflag:s19] =	ssyncadd.s32 $0xFFFFE000  }
.LBB2_8:
0x100: {  	v15 =	vld [tilespmem:s25+$0x1C00];
	_ =	sdelay $0x3  }
0x101: {  	v14 =	vld [tilespmem:s25+$0x1C10];
	s8 =	simm.s32 $0x1  }
0x102: {  	v13 =	vld [tilespmem:s25+$0x1C20];
	s10 =	simm.s32 $0x3;
	v9 =	vadd.s32 s8, v15  }
0x103: {  	s0 =	simm.s32 $0x0;
	v12 =	vld [tilespmem:s25+$0x1C30];
	s5 =	simm.s32 $0x4;
	v20 =	vadd.s32 s10, v15;
	v18 =	vadd.s32 v0, v9  }
0x104: {  	s29 =	simm.s32 $0x7;
	v11 =	vld [tilespmem:s25+$0x1C40];
	v8 =	vadd.s32 s0, v15;
	v21 =	vadd.s32 s5, v15;
	v20 =	vadd.s32 v0, v20  }
0x105: {  	s1 =	simm.s32 $0x2;
	v10 =	vld [tilespmem:s25+$0x1C50];
	s6 =	simm.s32 $0x5;
	v16 =	vadd.s32 v0, v8;
	v8 =	vadd.s32 s29, v15;
	v21 =	vadd.s32 v0, v21  }
0x106: {  	v22 =	vadd.s32 s6, v15;
	v9 =	vld [tilespmem:s25+$0x1C60];
	v17 =	vadd.s32 v0, v8;
	v8 =	vadd.s32 s1, v15  }
0x107: {  	s28 =	simm.s32 $0x6;
	v22 =	vadd.s32 v0, v22;
	v19 =	vadd.s32 v0, v8;
	v8 =	vld [tilespmem:s25+$0x1C70]  }
0x108: {  	v23 =	vadd.s32 s28, v15;
	v18 =	vld.idx.msk [tilespmem:v18+s13+$0x0], $0xffff  }
0x109: {  	v23 =	vadd.s32 v0, v23;
	v20 =	vld.idx.msk [tilespmem:v20+s13+$0x0], $0xffff  }
0x10a: {  	v25 =	vadd.s32 s8, v14;
	v21 =	vld.idx.msk [tilespmem:v21+s13+$0x0], $0xffff  }
0x10b: {  	v27 =	vadd.s32 s10, v14;
	v25 =	vadd.s32 v1, v25;
	v17 =	vld.idx.msk [tilespmem:v17+s13+$0x0], $0xffff  }
0x10c: {  	s26 =	simm.s32 $0xDBF0;
	v24 =	vadd.s32 s29, v14;
	v27 =	vadd.s32 v1, v27;
	v22 =	vld.idx.msk [tilespmem:v22+s13+$0x0], $0xffff  }
0x10d: {  	v28 =	vadd.s32 s5, v14;
	v24 =	vadd.s32 v1, v24;
	v19 =	vld.idx.msk [tilespmem:v19+s13+$0x0], $0xffff;
	[tilespmem:s26+$0xFFFFFC90] =	vst v18  }
0x10e: {  	v26 =	vadd.s32 s1, v14;
	v28 =	vadd.s32 v1, v28;
	v23 =	vld.idx.msk [tilespmem:v23+s13+$0x0], $0xffff;
	[tilespmem:s26+$0xFFFFFD90] =	vst v20  }
0x10f: {  	v29 =	vadd.s32 s6, v14;
	v26 =	vadd.s32 v1, v26;
	v16 =	vld.idx.msk [tilespmem:v16+s13+$0x0], $0xffff;
	[tilespmem:s26+$0xFFFFFE10] =	vst v21  }
0x110: {  	v18 =	vadd.s32 s28, v14;
	[tilespmem:s26+$0xFFFFFF90] =	vst v17;
	v17 =	vadd.s32 v1, v29;
	v25 =	vld.idx.msk [tilespmem:v25+s13+$0x0], $0xffff  }
0x111: {  	[tilespmem:s26+$0xFFFFFE90] =	vst v22;
	v18 =	vadd.s32 v1, v18;
	v29 =	vadd.s32 s0, v14;
	v27 =	vld.idx.msk [tilespmem:v27+s13+$0x0], $0xffff  }
0x112: {  	v24 =	vld.idx.msk [tilespmem:v24+s13+$0x0], $0xffff;
	[tilespmem:s26+$0xFFFFFD10] =	vst v19;
	v19 =	vadd.s32 s29, v13;
	v20 =	vadd.s32 v1, v29  }
0x113: {  	[tilespmem:s26+$0xFFFFFF10] =	vst v23;
	v28 =	vld.idx.msk [tilespmem:v28+s13+$0x0], $0xffff;
	v29 =	vadd.s32 s8, v13;
	v19 =	vadd.s32 v2, v19  }
0x114: {  	[tilespmem:s26+$0xFFFFFC10] =	vst v16;
	v26 =	vld.idx.msk [tilespmem:v26+s13+$0x0], $0xffff;
	v21 =	vadd.s32 v2, v29;
	v29 =	vadd.s32 s1, v13  }
0x115: {  	v22 =	vadd.s32 v2, v29;
	v29 =	vadd.s32 s10, v13;
	v17 =	vld.idx.msk [tilespmem:v17+s13+$0x0], $0xffff;
	[tilespmem:s26+$0xFFFFFCA0] =	vst v25  }
0x116: {  	v23 =	vadd.s32 v2, v29;
	v29 =	vadd.s32 s5, v13;
	v18 =	vld.idx.msk [tilespmem:v18+s13+$0x0], $0xffff;
	[tilespmem:s26+$0xFFFFFDA0] =	vst v27  }
0x117: {  	v16 =	vadd.s32 v2, v29;
	[tilespmem:s26+$0xFFFFFFA0] =	vst v24;
	v24 =	vadd.s32 s6, v13;
	v20 =	vld.idx.msk [tilespmem:v20+s13+$0x0], $0xffff  }
0x118: {  	v29 =	vadd.s32 s0, v13;
	[tilespmem:s26+$0xFFFFFE20] =	vst v28;
	v19 =	vld.idx.msk [tilespmem:v19+s13+$0x0], $0xffff;
	v24 =	vadd.s32 v2, v24  }
0x119: {  	v25 =	vadd.s32 s29, v12;
	v27 =	vadd.s32 v2, v29;
	v21 =	vld.idx.msk [tilespmem:v21+s13+$0x0], $0xffff;
	[tilespmem:s26+$0xFFFFFD20] =	vst v26  }
0x11a: {  	v25 =	vadd.s32 v3, v25;
	v26 =	vadd.s32 s28, v13;
	v22 =	vld.idx.msk [tilespmem:v22+s13+$0x0], $0xffff;
	[tilespmem:s26+$0xFFFFFEA0] =	vst v17  }
0x11b: {  	v29 =	vadd.s32 s8, v12;
	v26 =	vadd.s32 v2, v26;
	v23 =	vld.idx.msk [tilespmem:v23+s13+$0x0], $0xffff;
	[tilespmem:s26+$0xFFFFFF20] =	vst v18  }
0x11c: {  	v28 =	vadd.s32 v3, v29;
	v29 =	vadd.s32 s1, v12;
	v16 =	vld.idx.msk [tilespmem:v16+s13+$0x0], $0xffff;
	[tilespmem:s26+$0xFFFFFC20] =	vst v20  }
0x11d: {  	v17 =	vadd.s32 v3, v29;
	v29 =	vadd.s32 s10, v12;
	v24 =	vld.idx.msk [tilespmem:v24+s13+$0x0], $0xffff;
	[tilespmem:s26+$0xFFFFFFB0] =	vst v19  }
0x11e: {  	v19 =	vadd.s32 v3, v29;
	v29 =	vadd.s32 s5, v12;
	v27 =	vld.idx.msk [tilespmem:v27+s13+$0x0], $0xffff;
	[tilespmem:s26+$0xFFFFFCB0] =	vst v21  }
0x11f: {  	v21 =	vadd.s32 s6, v12;
	v18 =	vld.idx.msk [tilespmem:v25+s13+$0x0], $0xffff;
	v20 =	vadd.s32 v3, v29;
	[tilespmem:s26+$0xFFFFFD30] =	vst v22  }
0x120: {  	v25 =	vld.idx.msk [tilespmem:v26+s13+$0x0], $0xffff;
	v26 =	vadd.s32 s29, v11;
	v21 =	vadd.s32 v3, v21;
	[tilespmem:s26+$0xFFFFFDB0] =	vst v23  }
0x121: {  	v28 =	vld.idx.msk [tilespmem:v28+s13+$0x0], $0xffff;
	v22 =	vadd.s32 s28, v12;
	v26 =	vadd.s32 v4, v26;
	[tilespmem:s26+$0xFFFFFE30] =	vst v16  }
0x122: {  	v29 =	vadd.s32 s0, v12;
	v22 =	vadd.s32 v3, v22;
	v17 =	vld.idx.msk [tilespmem:v17+s13+$0x0], $0xffff;
	[tilespmem:s26+$0xFFFFFEB0] =	vst v24  }
0x123: {  	v23 =	vadd.s32 v3, v29;
	v29 =	vadd.s32 s8, v11;
	v19 =	vld.idx.msk [tilespmem:v19+s13+$0x0], $0xffff;
	[tilespmem:s26+$0xFFFFFC30] =	vst v27  }
0x124: {  	v16 =	vadd.s32 v4, v29;
	v29 =	vadd.s32 s1, v11;
	v20 =	vld.idx.msk [tilespmem:v20+s13+$0x0], $0xffff;
	[tilespmem:s26+$0xFFFFFFC0] =	vst v18  }
0x125: {  	v18 =	vadd.s32 v4, v29;
	v29 =	vadd.s32 s10, v11;
	v21 =	vld.idx.msk [tilespmem:v21+s13+$0x0], $0xffff;
	[tilespmem:s26+$0xFFFFFF30] =	vst v25  }
0x126: {  	v27 =	vadd.s32 s5, v11;
	[tilespmem:s26+$0xFFFFFCC0] =	vst v28;
	v24 =	vld.idx.msk [tilespmem:v26+s13+$0x0], $0xffff;
	v26 =	vadd.s32 v4, v29  }
0x127: {  	v25 =	vadd.s32 s29, v10;
	v27 =	vadd.s32 v4, v27;
	v22 =	vld.idx.msk [tilespmem:v22+s13+$0x0], $0xffff;
	[tilespmem:s26+$0xFFFFFD40] =	vst v17  }
0x128: {  	v28 =	vadd.s32 s6, v11;
	v25 =	vadd.s32 v5, v25;
	v23 =	vld.idx.msk [tilespmem:v23+s13+$0x0], $0xffff;
	[tilespmem:s26+$0xFFFFFDC0] =	vst v19  }
0x129: {  	v16 =	vld.idx.msk [tilespmem:v16+s13+$0x0], $0xffff;
	v17 =	vadd.s32 v4, v28;
	v28 =	vadd.s32 s28, v11;
	[tilespmem:s26+$0xFFFFFE40] =	vst v20  }
0x12a: {  	v29 =	vadd.s32 s0, v11;
	v19 =	vadd.s32 v4, v28;
	v18 =	vld.idx.msk [tilespmem:v18+s13+$0x0], $0xffff;
	[tilespmem:s26+$0xFFFFFEC0] =	vst v21  }
0x12b: {  	v28 =	vadd.s32 v4, v29;
	v29 =	vadd.s32 s8, v10;
	v26 =	vld.idx.msk [tilespmem:v26+s13+$0x0], $0xffff;
	[tilespmem:s26+$0xFFFFFFD0] =	vst v24  }
0x12c: {  	v24 =	vadd.s32 v5, v29;
	v29 =	vadd.s32 s1, v10;
	v27 =	vld.idx.msk [tilespmem:v27+s13+$0x0], $0xffff;
	[tilespmem:s26+$0xFFFFFF40] =	vst v22  }
0x12d: {  	[tilespmem:s26+$0xFFFFFC40] =	vst v23;
	v23 =	vadd.s32 s5, v10;
	v20 =	vld.idx.msk [tilespmem:v25+s13+$0x0], $0xffff;
	v25 =	vadd.s32 v5, v29  }
0x12e: {  	v21 =	vadd.s32 s29, v9;
	v17 =	vld.idx.msk [tilespmem:v17+s13+$0x0], $0xffff;
	[tilespmem:s26+$0xFFFFFCD0] =	vst v16;
	v16 =	vadd.s32 v5, v23  }
0x12f: {  	v21 =	vadd.s32 v6, v21;
	v29 =	vadd.s32 s10, v10;
	v19 =	vld.idx.msk [tilespmem:v19+s13+$0x0], $0xffff  }
0x130: {  	v23 =	vadd.s32 s6, v10;
	v22 =	vadd.s32 v5, v29;
	v28 =	vld.idx.msk [tilespmem:v28+s13+$0x0], $0xffff  }
0x131: {  	[tilespmem:s26+$0xFFFFFD50] =	vst v18;
	v18 =	vadd.s32 v5, v23;
	v23 =	vadd.s32 s28, v10;
	v24 =	vld.idx.msk [tilespmem:v24+s13+$0x0], $0xffff  }
0x132: {  	v29 =	vadd.s32 s0, v10;
	v23 =	vadd.s32 v5, v23;
	[tilespmem:s26+$0xFFFFFE50] =	vst v27;
	v25 =	vld.idx.msk [tilespmem:v25+s13+$0x0], $0xffff  }
0x133: {  	[tilespmem:s26+$0xFFFFFFE0] =	vst v20;
	v20 =	vadd.s32 v5, v29;
	v29 =	vadd.s32 s8, v9;
	v16 =	vld.idx.msk [tilespmem:v16+s13+$0x0], $0xffff  }
0x134: {  	[tilespmem:s26+$0xFFFFFDD0] =	vst v26;
	v27 =	vadd.s32 s29, v8;
	v21 =	vld.idx.msk [tilespmem:v21+s13+$0x0], $0xffff;
	v26 =	vadd.s32 v6, v29  }
0x135: {  	[tilespmem:s26+$0xFFFFFED0] =	vst v17;
	v17 =	vadd.s32 v7, v27;
	v22 =	vld.idx.msk [tilespmem:v22+s13+$0x0], $0xffff;
	v29 =	vadd.s32 s1, v9  }
0x136: {  	v27 =	vadd.s32 v6, v29;
	v29 =	vadd.s32 s10, v9;
	[tilespmem:s26+$0xFFFFFF50] =	vst v19;
	v18 =	vld.idx.msk [tilespmem:v18+s13+$0x0], $0xffff  }
0x137: {  	[tilespmem:s26+$0xFFFFFC50] =	vst v28;
	v28 =	vadd.s32 s5, v9;
	v19 =	vadd.s32 v6, v29;
	v23 =	vld.idx.msk [tilespmem:v23+s13+$0x0], $0xffff  }
0x138: {  	[tilespmem:s26+$0xFFFFFCE0] =	vst v24;
	v24 =	vadd.s32 s6, v9;
	v29 =	vld.idx.msk [tilespmem:v20+s13+$0x0], $0xffff;
	v20 =	vadd.s32 v6, v28  }
0x139: {  	v24 =	vadd.s32 v6, v24;
	v28 =	vld.idx.msk [tilespmem:v26+s13+$0x0], $0xffff;
	v26 =	vadd.s32 s28, v9;
	[tilespmem:s26+$0xFFFFFFF0] =	vst v21  }
0x13a: {  	s25 =	simm.s32 $0x8;
	[tilespmem:s26+$0xFFFFFD60] =	vst v25;
	v21 =	vadd.s32 s0, v9;
	v25 =	vadd.s32 v6, v26;
	v30 =	vld.idx.msk [tilespmem:v17+s13+$0x0], $0xffff  }
0x13b: {  	[tilespmem:s26+$0xFFFFFDE0] =	vst v22;
	v17 =	vadd.s32 s25, v15;
	v31 =	vadd.s32 v6, v21;
	v32 =	vld.idx.msk [tilespmem:v27+s13+$0x0], $0xffff  }
0x13c: {  	[tilespmem:s26+$0xFFFFFE60] =	vst v16;
	v22 =	vadd.s32 v0, v17;
	v17 =	vadd.s32 s8, v8;
	v21 =	vld.idx.msk [tilespmem:v19+s13+$0x0], $0xffff  }
0x13d: {  	v16 =	vadd.s32 s1, v8;
	[tilespmem:s26+$0xFFFFFEE0] =	vst v18;
	v33 =	vadd.s32 v7, v17;
	v20 =	vld.idx.msk [tilespmem:v20+s13+$0x0], $0xffff  }
0x13e: {  	v27 =	vadd.s32 v7, v16;
	[tilespmem:s26+$0xFFFFFF60] =	vst v23;
	v17 =	vadd.s32 s10, v8;
	v18 =	vld.idx.msk [tilespmem:v24+s13+$0x0], $0xffff  }
0x13f: {  	v16 =	vadd.s32 s5, v8;
	[tilespmem:s26+$0xFFFFFC60] =	vst v29;
	v26 =	vadd.s32 v7, v17;
	v19 =	vld.idx.msk [tilespmem:v25+s13+$0x0], $0xffff  }
0x140: {  	v23 =	vadd.s32 v7, v16;
	v24 =	vadd.s32 s6, v8;
	[tilespmem:s26+$0xFFFFFCF0] =	vst v28;
	v17 =	vld.idx.msk [tilespmem:v31+s13+$0x0], $0xffff  }
0x141: {  	v24 =	vadd.s32 v7, v24;
	[tilespmem:s26+$0x0] =	vst v30;
	v25 =	vadd.s32 s28, v8;
	v16 =	vld.idx.msk [tilespmem:v22+s13+$0x0], $0xffff  }
0x142: {  	s29 =	simm.s32 $0x10;
	v28 =	vadd.s32 s0, v8;
	s28 =	simm.s32 $0xF;
	[tilespmem:s26+$0xFFFFFD70] =	vst v32;
	v25 =	vadd.s32 v7, v25;
	v22 =	vld.idx.msk [tilespmem:v33+s13+$0x0], $0xffff  }
.LBB2_9:
0x143: {  	p0 =	slt.u32 s29, $0x38;
	s1 =	sadd.s32 $0x1, s25;
	v29 =	vadd.s32 s28, v15;
	v28 =	vadd.s32 v7, v28;
	v27 =	vld.idx.msk [tilespmem:v27+s13+$0x0], $0xffff;
	[tilespmem:s26+$0xFFFFFDF0] =	vst v21  }
0x144: {  	s0 =	sadd.s32 $0x2, s25;
	v21 =	vadd.s32 s1, v15;
	v29 =	vadd.s32 v0, v29;
	v26 =	vld.idx.msk [tilespmem:v26+s13+$0x0], $0xffff;
	[tilespmem:s26+$0xFFFFFE70] =	vst v20  }
0x145: {  	s5 =	sadd.s32 $0x3, s25;
	v20 =	vadd.s32 v0, v21;
	v21 =	vadd.s32 s0, v15;
	v23 =	vld.idx.msk [tilespmem:v23+s13+$0x0], $0xffff;
	[tilespmem:s26+$0xFFFFFEF0] =	vst v18  }
0x146: {  	s10 =	sadd.s32 $0x4, s25;
	v18 =	vadd.s32 v0, v21;
	v21 =	vadd.s32 s5, v15;
	v24 =	vld.idx.msk [tilespmem:v24+s13+$0x0], $0xffff;
	[tilespmem:s26+$0xFFFFFF70] =	vst v19  }
0x147: {  	s6 =	sadd.s32 $0x5, s25;
	v19 =	vadd.s32 v0, v21;
	v21 =	vadd.s32 s10, v15;
	[tilespmem:s26+$0xFFFFFC70] =	vst v17;
	v17 =	vld.idx.msk [tilespmem:v25+s13+$0x0], $0xffff  }
0x148: {  	s8 =	sadd.s32 $0x6, s25;
	v25 =	vadd.s32 s6, v15;
	v21 =	vadd.s32 v0, v21;
	v28 =	vld.idx.msk [tilespmem:v28+s13+$0x0], $0xffff;
	[tilespmem:s26+$0xFFFFFD00] =	vst v22  }
0x149: {  	v22 =	vadd.s32 v0, v25;
	v25 =	vadd.s32 s8, v15;
	v29 =	vld.idx.msk [tilespmem:v29+s13+$0x0], $0xffff;
	[tilespmem:s26+$0xFFFFFD80] =	vst v27  }
0x14a: {  	v25 =	vadd.s32 v0, v25;
	v27 =	vadd.s32 s28, v14;
	v20 =	vld.idx.msk [tilespmem:v20+s13+$0x0], $0xffff;
	[tilespmem:s26+$0xFFFFFE00] =	vst v26  }
0x14b: {  	v26 =	vadd.s32 s1, v14;
	v27 =	vadd.s32 v1, v27;
	v18 =	vld.idx.msk [tilespmem:v18+s13+$0x0], $0xffff;
	[tilespmem:s26+$0xFFFFFE80] =	vst v23  }
0x14c: {  	v23 =	vadd.s32 v1, v26;
	v26 =	vadd.s32 s0, v14;
	v19 =	vld.idx.msk [tilespmem:v19+s13+$0x0], $0xffff;
	[tilespmem:s26+$0xFFFFFF00] =	vst v24  }
0x14d: {  	v24 =	vadd.s32 v1, v26;
	v26 =	vadd.s32 s5, v14;
	v21 =	vld.idx.msk [tilespmem:v21+s13+$0x0], $0xffff;
	[tilespmem:s26+$0xFFFFFF80] =	vst v17  }
0x14e: {  	v17 =	vadd.s32 v1, v26;
	v26 =	vadd.s32 s10, v14;
	v22 =	vld.idx.msk [tilespmem:v22+s13+$0x0], $0xffff;
	[tilespmem:s26+$0xFFFFFC80] =	vst v28;
	s26 =	sadd.s32 $0x400, s26  }
0x14f: {  	v26 =	vadd.s32 v1, v26;
	v28 =	vadd.s32 s6, v14;
	v25 =	vld.idx.msk [tilespmem:v25+s13+$0x0], $0xffff;
	[tilespmem:s26+$0xFFFFFF90] =	vst v29  }
0x150: {  	[tilespmem:s26+$0xFFFFFC90] =	vst v20;
	v20 =	vadd.s32 v1, v28;
	v28 =	vadd.s32 s8, v14;
	v27 =	vld.idx.msk [tilespmem:v27+s13+$0x0], $0xffff  }
0x151: {  	v23 =	vld.idx.msk [tilespmem:v23+s13+$0x0], $0xffff;
	[tilespmem:s26+$0xFFFFFD10] =	vst v18;
	v18 =	vadd.s32 v1, v28;
	v28 =	vadd.s32 s28, v13  }
0x152: {  	v29 =	vadd.s32 s25, v14;
	v24 =	vld.idx.msk [tilespmem:v24+s13+$0x0], $0xffff;
	[tilespmem:s26+$0xFFFFFD90] =	vst v19;
	v19 =	vadd.s32 v2, v28  }
0x153: {  	v28 =	vadd.s32 v1, v29;
	v29 =	vadd.s32 s1, v13;
	v17 =	vld.idx.msk [tilespmem:v17+s13+$0x0], $0xffff;
	[tilespmem:s26+$0xFFFFFE10] =	vst v21  }
0x154: {  	v21 =	vadd.s32 v2, v29;
	v29 =	vadd.s32 s0, v13;
	v26 =	vld.idx.msk [tilespmem:v26+s13+$0x0], $0xffff;
	[tilespmem:s26+$0xFFFFFE90] =	vst v22  }
0x155: {  	v22 =	vadd.s32 v2, v29;
	v29 =	vadd.s32 s5, v13;
	v20 =	vld.idx.msk [tilespmem:v20+s13+$0x0], $0xffff;
	[tilespmem:s26+$0xFFFFFF10] =	vst v25  }
0x156: {  	v25 =	vadd.s32 v2, v29;
	v29 =	vadd.s32 s10, v13;
	v18 =	vld.idx.msk [tilespmem:v18+s13+$0x0], $0xffff;
	[tilespmem:s26+$0xFFFFFFA0] =	vst v27  }
0x157: {  	v27 =	vadd.s32 s6, v13;
	[tilespmem:s26+$0xFFFFFC10] =	vst v16;
	v16 =	vadd.s32 v2, v29;
	v19 =	vld.idx.msk [tilespmem:v19+s13+$0x0], $0xffff  }
0x158: {  	v28 =	vld.idx.msk [tilespmem:v28+s13+$0x0], $0xffff;
	[tilespmem:s26+$0xFFFFFCA0] =	vst v23;
	v23 =	vadd.s32 v2, v27;
	v27 =	vadd.s32 s28, v12  }
0x159: {  	v21 =	vld.idx.msk [tilespmem:v21+s13+$0x0], $0xffff;
	[tilespmem:s26+$0xFFFFFD20] =	vst v24;
	v24 =	vadd.s32 s8, v13;
	v27 =	vadd.s32 v3, v27  }
0x15a: {  	v29 =	vadd.s32 s25, v13;
	v22 =	vld.idx.msk [tilespmem:v22+s13+$0x0], $0xffff;
	[tilespmem:s26+$0xFFFFFDA0] =	vst v17;
	v17 =	vadd.s32 v2, v24  }
0x15b: {  	v24 =	vadd.s32 v2, v29;
	v29 =	vadd.s32 s1, v12;
	v25 =	vld.idx.msk [tilespmem:v25+s13+$0x0], $0xffff;
	[tilespmem:s26+$0xFFFFFE20] =	vst v26  }
0x15c: {  	v26 =	vadd.s32 v3, v29;
	v29 =	vadd.s32 s0, v12;
	v16 =	vld.idx.msk [tilespmem:v16+s13+$0x0], $0xffff;
	[tilespmem:s26+$0xFFFFFEA0] =	vst v20  }
0x15d: {  	v20 =	vadd.s32 v3, v29;
	v29 =	vadd.s32 s5, v12;
	v23 =	vld.idx.msk [tilespmem:v23+s13+$0x0], $0xffff;
	[tilespmem:s26+$0xFFFFFFB0] =	vst v19  }
0x15e: {  	v19 =	vadd.s32 v3, v29;
	v29 =	vadd.s32 s10, v12;
	[tilespmem:s26+$0xFFFFFF20] =	vst v18;
	v18 =	vld.idx.msk [tilespmem:v27+s13+$0x0], $0xffff  }
0x15f: {  	v27 =	vadd.s32 v3, v29;
	[tilespmem:s26+$0xFFFFFC20] =	vst v28;
	v17 =	vld.idx.msk [tilespmem:v17+s13+$0x0], $0xffff;
	v28 =	vadd.s32 s28, v11  }
0x160: {  	v24 =	vld.idx.msk [tilespmem:v24+s13+$0x0], $0xffff;
	[tilespmem:s26+$0xFFFFFCB0] =	vst v21;
	v21 =	vadd.s32 s6, v12;
	v28 =	vadd.s32 v4, v28  }
0x161: {  	v26 =	vld.idx.msk [tilespmem:v26+s13+$0x0], $0xffff;
	[tilespmem:s26+$0xFFFFFD30] =	vst v22;
	v21 =	vadd.s32 v3, v21;
	v22 =	vadd.s32 s8, v12  }
0x162: {  	v29 =	vadd.s32 s25, v12;
	v20 =	vld.idx.msk [tilespmem:v20+s13+$0x0], $0xffff;
	[tilespmem:s26+$0xFFFFFDB0] =	vst v25;
	v22 =	vadd.s32 v3, v22  }
0x163: {  	v25 =	vadd.s32 v3, v29;
	v29 =	vadd.s32 s1, v11;
	v19 =	vld.idx.msk [tilespmem:v19+s13+$0x0], $0xffff;
	[tilespmem:s26+$0xFFFFFE30] =	vst v16  }
0x164: {  	v16 =	vadd.s32 v4, v29;
	v29 =	vadd.s32 s0, v11;
	v27 =	vld.idx.msk [tilespmem:v27+s13+$0x0], $0xffff;
	[tilespmem:s26+$0xFFFFFFC0] =	vst v18  }
0x165: {  	v18 =	vadd.s32 v4, v29;
	v29 =	vadd.s32 s5, v11;
	[tilespmem:s26+$0xFFFFFEB0] =	vst v23;
	v23 =	vld.idx.msk [tilespmem:v28+s13+$0x0], $0xffff  }
0x166: {  	v28 =	vadd.s32 v4, v29;
	v21 =	vld.idx.msk [tilespmem:v21+s13+$0x0], $0xffff;
	[tilespmem:s26+$0xFFFFFF30] =	vst v17;
	v17 =	vadd.s32 s28, v10  }
0x167: {  	[tilespmem:s26+$0xFFFFFC30] =	vst v24;
	v24 =	vadd.s32 s10, v11;
	v22 =	vld.idx.msk [tilespmem:v22+s13+$0x0], $0xffff;
	v17 =	vadd.s32 v5, v17  }
0x168: {  	v25 =	vld.idx.msk [tilespmem:v25+s13+$0x0], $0xffff;
	[tilespmem:s26+$0xFFFFFCC0] =	vst v26;
	v24 =	vadd.s32 v4, v24;
	v26 =	vadd.s32 s6, v11  }
0x169: {  	v16 =	vld.idx.msk [tilespmem:v16+s13+$0x0], $0xffff;
	[tilespmem:s26+$0xFFFFFD40] =	vst v20;
	v20 =	vadd.s32 v4, v26;
	v26 =	vadd.s32 s8, v11  }
0x16a: {  	v29 =	vadd.s32 s25, v11;
	v18 =	vld.idx.msk [tilespmem:v18+s13+$0x0], $0xffff;
	[tilespmem:s26+$0xFFFFFDC0] =	vst v19;
	v19 =	vadd.s32 v4, v26  }
0x16b: {  	v26 =	vadd.s32 v4, v29;
	v29 =	vadd.s32 s1, v10;
	v28 =	vld.idx.msk [tilespmem:v28+s13+$0x0], $0xffff;
	[tilespmem:s26+$0xFFFFFFD0] =	vst v23  }
0x16c: {  	v23 =	vadd.s32 v5, v29;
	v29 =	vadd.s32 s0, v10;
	[tilespmem:s26+$0xFFFFFE40] =	vst v27;
	v17 =	vld.idx.msk [tilespmem:v17+s13+$0x0], $0xffff  }
0x16d: {  	v27 =	vadd.s32 v5, v29;
	v24 =	vld.idx.msk [tilespmem:v24+s13+$0x0], $0xffff;
	[tilespmem:s26+$0xFFFFFEC0] =	vst v21;
	v21 =	vadd.s32 s28, v9  }
0x16e: {  	v29 =	vadd.s32 s5, v10;
	v20 =	vld.idx.msk [tilespmem:v20+s13+$0x0], $0xffff;
	[tilespmem:s26+$0xFFFFFF40] =	vst v22;
	v21 =	vadd.s32 v6, v21  }
0x16f: {  	v22 =	vadd.s32 v5, v29;
	[tilespmem:s26+$0xFFFFFC40] =	vst v25;
	v25 =	vadd.s32 s10, v10;
	v19 =	vld.idx.msk [tilespmem:v19+s13+$0x0], $0xffff  }
0x170: {  	v26 =	vld.idx.msk [tilespmem:v26+s13+$0x0], $0xffff;
	[tilespmem:s26+$0xFFFFFCD0] =	vst v16;
	v16 =	vadd.s32 v5, v25;
	v25 =	vadd.s32 s6, v10  }
0x171: {  	v23 =	vld.idx.msk [tilespmem:v23+s13+$0x0], $0xffff;
	[tilespmem:s26+$0xFFFFFD50] =	vst v18;
	v18 =	vadd.s32 v5, v25;
	v25 =	vadd.s32 s8, v10  }
0x172: {  	v29 =	vadd.s32 s25, v10;
	v27 =	vld.idx.msk [tilespmem:v27+s13+$0x0], $0xffff;
	v25 =	vadd.s32 v5, v25;
	[tilespmem:s26+$0xFFFFFFE0] =	vst v17  }
0x173: {  	v17 =	vadd.s32 v5, v29;
	v29 =	vadd.s32 s1, v9;
	[tilespmem:s26+$0xFFFFFDD0] =	vst v28;
	v21 =	vld.idx.msk [tilespmem:v21+s13+$0x0], $0xffff  }
0x174: {  	v28 =	vadd.s32 v6, v29;
	v22 =	vld.idx.msk [tilespmem:v22+s13+$0x0], $0xffff;
	[tilespmem:s26+$0xFFFFFE50] =	vst v24;
	v24 =	vadd.s32 s28, v8  }
0x175: {  	v29 =	vadd.s32 s0, v9;
	v16 =	vld.idx.msk [tilespmem:v16+s13+$0x0], $0xffff;
	[tilespmem:s26+$0xFFFFFED0] =	vst v20;
	v20 =	vadd.s32 v7, v24  }
0x176: {  	v24 =	vadd.s32 v6, v29;
	v29 =	vadd.s32 s5, v9;
	v18 =	vld.idx.msk [tilespmem:v18+s13+$0x0], $0xffff;
	[tilespmem:s26+$0xFFFFFF50] =	vst v19  }
0x177: {  	v19 =	vadd.s32 v6, v29;
	[tilespmem:s26+$0xFFFFFC50] =	vst v26;
	v26 =	vadd.s32 s10, v9;
	v25 =	vld.idx.msk [tilespmem:v25+s13+$0x0], $0xffff  }
0x178: {  	v17 =	vld.idx.msk [tilespmem:v17+s13+$0x0], $0xffff;
	[tilespmem:s26+$0xFFFFFCE0] =	vst v23;
	v23 =	vadd.s32 v6, v26;
	v26 =	vadd.s32 s6, v9  }
0x179: {  	v29 =	vadd.s32 s8, v9;
	v28 =	vld.idx.msk [tilespmem:v28+s13+$0x0], $0xffff;
	v26 =	vadd.s32 v6, v26;
	[tilespmem:s26+$0xFFFFFFF0] =	vst v21  }
0x17a: {  	v29 =	vadd.s32 v6, v29;
	v21 =	vadd.s32 s25, v9;
	[tilespmem:s26+$0xFFFFFD60] =	vst v27;
	v30 =	vld.idx.msk [tilespmem:v20+s13+$0x0], $0xffff  }
0x17b: {  	v20 =	vadd.s32 s29, v15;
	v31 =	vadd.s32 v6, v21;
	v32 =	vld.idx.msk [tilespmem:v24+s13+$0x0], $0xffff;
	[tilespmem:s26+$0xFFFFFDE0] =	vst v22  }
0x17c: {  	v22 =	vadd.s32 v0, v20;
	v20 =	vadd.s32 s1, v8;
	v21 =	vld.idx.msk [tilespmem:v19+s13+$0x0], $0xffff;
	[tilespmem:s26+$0xFFFFFE60] =	vst v16  }
0x17d: {  	v33 =	vadd.s32 v7, v20;
	v16 =	vadd.s32 s0, v8;
	v20 =	vld.idx.msk [tilespmem:v23+s13+$0x0], $0xffff;
	[tilespmem:s26+$0xFFFFFEE0] =	vst v18  }
.Ltmp4:
0x17e: {  	v27 =	vadd.s32 v7, v16;
	v16 =	vadd.s32 s5, v8;
	v18 =	vld.idx.msk [tilespmem:v26+s13+$0x0], $0xffff;
	[tilespmem:s26+$0xFFFFFF60] =	vst v25;
	(pc) =	sbr.rel @p0 .LBB2_9-.Ltmp4, $4  }
0x17f: {  	v26 =	vadd.s32 v7, v16;
	v16 =	vadd.s32 s10, v8;
	[tilespmem:s26+$0xFFFFFC60] =	vst v17;
	v19 =	vld.idx.msk [tilespmem:v29+s13+$0x0], $0xffff  }
0x180: {  	v24 =	vadd.s32 s6, v8;
	v23 =	vadd.s32 v7, v16;
	v17 =	vld.idx.msk [tilespmem:v31+s13+$0x0], $0xffff;
	[tilespmem:s26+$0x0] =	vst v30  }
0x181: {  	v24 =	vadd.s32 v7, v24;
	v25 =	vadd.s32 s8, v8;
	v16 =	vld.idx.msk [tilespmem:v22+s13+$0x0], $0xffff;
	[tilespmem:s26+$0xFFFFFCF0] =	vst v28  }
0x182: {  	s28 =	sadd.s32 $0x7, s29;
	v25 =	vadd.s32 v7, v25;
	v28 =	vadd.s32 s25, v8;
	s25 =	smov.u32 s29;
	s29 =	sadd.s32 $0x8, s29;
	v22 =	vld.idx.msk [tilespmem:v33+s13+$0x0], $0xffff;
	[tilespmem:s26+$0xFFFFFD70] =	vst v32  }
0x183: {  	_ =	sdelay $0x2  }
0x184: {  	[tilespmem:s26+$0xFFFFFDF0] =	vst v21;
	v38 =	vadd.s32 s28, v15  }
0x185: {  	s0 =	sadd.s32 $0x1, s25;
	v28 =	vadd.s32 v7, v28;
	v27 =	vld.idx.msk [tilespmem:v27+s13+$0x0], $0xffff;
	[tilespmem:s26+$0xFFFFFE70] =	vst v20;
	v48 =	vadd.s32 s28, v14;
	v60 =	vadd.s32 s25, v14  }
0x186: {  	s1 =	sadd.s32 $0x2, s25;
	[tilespmem:s26+$0xFFFFFEF0] =	vst v18;
	s6 =	sadd.s32 $0x3, s25;
	s8 =	sadd.s32 $0x4, s25;
	v39 =	vadd.s32 s0, v15;
	v21 =	vadd.s32 v0, v38;
	v26 =	vld.idx.msk [tilespmem:v26+s13+$0x0], $0xffff;
	v50 =	vadd.s32 s0, v14  }
0x187: {  	s10 =	sadd.s32 $0x5, s25;
	s29 =	sadd.s32 $0x6, s25;
	[tilespmem:s26+$0xFFFFFF70] =	vst v19;
	v51 =	vadd.s32 s1, v14;
	v52 =	vadd.s32 s6, v14;
	v54 =	vadd.s32 s8, v14  }
0x188: {  	s5 =	sadd.s32 $0x400, s26;
	v23 =	vld.idx.msk [tilespmem:v23+s13+$0x0], $0xffff;
	v56 =	vadd.s32 s10, v14;
	v59 =	vadd.s32 s29, v14;
	v14 =	vadd.s32 v1, v60;
	[tilespmem:s26+$0xFFFFFC70] =	vst v17  }
0x189: {  	v41 =	vadd.s32 s1, v15;
	v24 =	vld.idx.msk [tilespmem:v24+s13+$0x0], $0xffff;
	v40 =	vadd.s32 v0, v39;
	[tilespmem:s5+$0xFFFFFC10] =	vst v16  }
0x18a: {  	v43 =	vadd.s32 s6, v15;
	v42 =	vadd.s32 v0, v41;
	v25 =	vld.idx.msk [tilespmem:v25+s13+$0x0], $0xffff;
	[tilespmem:s26+$0xFFFFFD00] =	vst v22  }
0x18b: {  	v45 =	vadd.s32 s8, v15;
	v44 =	vadd.s32 v0, v43;
	v28 =	vld.idx.msk [tilespmem:v28+s13+$0x0], $0xffff;
	[tilespmem:s26+$0xFFFFFD80] =	vst v27  }
0x18c: {  	v47 =	vadd.s32 s29, v15;
	v20 =	vadd.s32 v0, v45;
	v21 =	vld.idx.msk [tilespmem:v21+s13+$0x0], $0xffff;
	[tilespmem:s26+$0xFFFFFE00] =	vst v26  }
0x18d: {  	v46 =	vadd.s32 s10, v15;
	v15 =	vadd.s32 v0, v47;
	[tilespmem:s26+$0xFFFFFE80] =	vst v23;
	v14 =	vld.idx.msk [tilespmem:v14+s13+$0x0], $0xffff  }
0x18e: {  	v22 =	vadd.s32 v0, v46;
	[tilespmem:s26+$0xFFFFFF00] =	vst v24;
	v18 =	vld.idx.msk [tilespmem:v40+s13+$0x0], $0xffff  }
0x18f: {  	v49 =	vadd.s32 v1, v48;
	v19 =	vld.idx.msk [tilespmem:v42+s13+$0x0], $0xffff;
	[tilespmem:s26+$0xFFFFFF80] =	vst v25  }
0x190: {  	v24 =	vadd.s32 v1, v50;
	v17 =	vld.idx.msk [tilespmem:v44+s13+$0x0], $0xffff;
	[tilespmem:s26+$0xFFFFFC80] =	vst v28  }
0x191: {  	v20 =	vld.idx.msk [tilespmem:v20+s13+$0x0], $0xffff;
	v25 =	vadd.s32 v1, v51;
	[tilespmem:s5+$0xFFFFFF90] =	vst v21  }
0x192: {  	v58 =	vadd.s32 s28, v13;
	v36 =	vadd.s32 s25, v13;
	v53 =	vadd.s32 v1, v52;
	v15 =	vld.idx.msk [tilespmem:v15+s13+$0x0], $0xffff;
	[tilespmem:s5+$0xFFFFFC20] =	vst v14  }
0x193: {  	v62 =	vadd.s32 s0, v13;
	v29 =	vadd.s32 s6, v13;
	v55 =	vadd.s32 v1, v54;
	v22 =	vld.idx.msk [tilespmem:v22+s13+$0x0], $0xffff;
	[tilespmem:s5+$0xFFFFFC90] =	vst v18  }
0x194: {  	v31 =	vadd.s32 s8, v13;
	v34 =	vadd.s32 s10, v13;
	v57 =	vadd.s32 v1, v56;
	v23 =	vld.idx.msk [tilespmem:v49+s13+$0x0], $0xffff;
	[tilespmem:s5+$0xFFFFFD10] =	vst v19  }
0x195: {  	v35 =	vadd.s32 s29, v13;
	v28 =	vadd.s32 s1, v13;
	v13 =	vadd.s32 v2, v36;
	[tilespmem:s5+$0xFFFFFD90] =	vst v17;
	v24 =	vld.idx.msk [tilespmem:v24+s13+$0x0], $0xffff  }
0x196: {  	[tilespmem:s5+$0xFFFFFE10] =	vst v20;
	v17 =	vadd.s32 v1, v59;
	v61 =	vld.idx.msk [tilespmem:v25+s13+$0x0], $0xffff  }
0x197: {  	v26 =	vadd.s32 v2, v58;
	[tilespmem:s5+$0xFFFFFF10] =	vst v15;
	v21 =	vld.idx.msk [tilespmem:v53+s13+$0x0], $0xffff  }
0x198: {  	v63 =	vadd.s32 v2, v62;
	v18 =	vld.idx.msk [tilespmem:v55+s13+$0x0], $0xffff;
	[tilespmem:s5+$0xFFFFFE90] =	vst v22  }
0x199: {  	v33 =	vadd.s32 s28, v12;
	v38 =	vadd.s32 s0, v12;
	v22 =	vadd.s32 v2, v28;
	v19 =	vld.idx.msk [tilespmem:v57+s13+$0x0], $0xffff;
	[tilespmem:s5+$0xFFFFFFA0] =	vst v23  }
0x19a: {  	v48 =	vadd.s32 s29, v12;
	v30 =	vadd.s32 v2, v29;
	v39 =	vadd.s32 s1, v12;
	v13 =	vld.idx.msk [tilespmem:v13+s13+$0x0], $0xffff;
	[tilespmem:s5+$0xFFFFFCA0] =	vst v24  }
0x19b: {  	v41 =	vadd.s32 s6, v12;
	v20 =	vadd.s32 v2, v34;
	v49 =	vadd.s32 s25, v12;
	v17 =	vld.idx.msk [tilespmem:v17+s13+$0x0], $0xffff;
	[tilespmem:s5+$0xFFFFFD20] =	vst v61  }
0x19c: {  	v45 =	vadd.s32 s8, v12;
	v46 =	vadd.s32 s10, v12;
	v12 =	vadd.s32 v3, v49;
	v32 =	vld.idx.msk [tilespmem:v26+s13+$0x0], $0xffff;
	[tilespmem:s5+$0xFFFFFDA0] =	vst v21  }
0x19d: {  	v23 =	vadd.s32 v2, v31;
	[tilespmem:s5+$0xFFFFFE20] =	vst v18;
	v15 =	vld.idx.msk [tilespmem:v63+s13+$0x0], $0xffff  }
0x19e: {  	v21 =	vadd.s32 v2, v35;
	v37 =	vld.idx.msk [tilespmem:v22+s13+$0x0], $0xffff;
	[tilespmem:s5+$0xFFFFFEA0] =	vst v19  }
0x19f: {  	v24 =	vadd.s32 v3, v33;
	v16 =	vld.idx.msk [tilespmem:v30+s13+$0x0], $0xffff;
	[tilespmem:s5+$0xFFFFFC30] =	vst v13  }
0x1a0: {  	v19 =	vadd.s32 v3, v38;
	v42 =	vld.idx.msk [tilespmem:v20+s13+$0x0], $0xffff;
	[tilespmem:s5+$0xFFFFFF20] =	vst v17  }
0x1a1: {  	v52 =	vadd.s32 s1, v11;
	v56 =	vadd.s32 s8, v11;
	v40 =	vadd.s32 v3, v39;
	v12 =	vld.idx.msk [tilespmem:v12+s13+$0x0], $0xffff;
	[tilespmem:s5+$0xFFFFFFB0] =	vst v32  }
0x1a2: {  	v43 =	vadd.s32 v3, v41;
	v50 =	vadd.s32 s0, v11;
	v58 =	vadd.s32 s29, v11;
	v23 =	vld.idx.msk [tilespmem:v23+s13+$0x0], $0xffff;
	[tilespmem:s5+$0xFFFFFCB0] =	vst v15  }
0x1a3: {  	v44 =	vadd.s32 s28, v11;
	v59 =	vadd.s32 s25, v11;
	v18 =	vadd.s32 v3, v46;
	v21 =	vld.idx.msk [tilespmem:v21+s13+$0x0], $0xffff;
	[tilespmem:s5+$0xFFFFFD30] =	vst v37  }
0x1a4: {  	v55 =	vadd.s32 s6, v11;
	v57 =	vadd.s32 s10, v11;
	v11 =	vadd.s32 v4, v59;
	v24 =	vld.idx.msk [tilespmem:v24+s13+$0x0], $0xffff;
	[tilespmem:s5+$0xFFFFFDB0] =	vst v16  }
0x1a5: {  	v15 =	vadd.s32 v3, v45;
	v47 =	vld.idx.msk [tilespmem:v19+s13+$0x0], $0xffff;
	[tilespmem:s5+$0xFFFFFEB0] =	vst v42  }
0x1a6: {  	v22 =	vadd.s32 v4, v44;
	v17 =	vld.idx.msk [tilespmem:v40+s13+$0x0], $0xffff;
	[tilespmem:s5+$0xFFFFFC40] =	vst v12  }
0x1a7: {  	v19 =	vadd.s32 v3, v48;
	v20 =	vld.idx.msk [tilespmem:v43+s13+$0x0], $0xffff;
	[tilespmem:s5+$0xFFFFFE30] =	vst v23  }
0x1a8: {  	v60 =	vadd.s32 s0, v10;
	v54 =	vadd.s32 s28, v10;
	v51 =	vadd.s32 v4, v50;
	v18 =	vld.idx.msk [tilespmem:v18+s13+$0x0], $0xffff;
	[tilespmem:s5+$0xFFFFFF30] =	vst v21  }
0x1a9: {  	v62 =	vadd.s32 s1, v10;
	v29 =	vadd.s32 s25, v10;
	v53 =	vadd.s32 v4, v52;
	v11 =	vld.idx.msk [tilespmem:v11+s13+$0x0], $0xffff;
	[tilespmem:s5+$0xFFFFFFC0] =	vst v24  }
0x1aa: {  	v27 =	vadd.s32 s10, v10;
	v28 =	vadd.s32 s29, v10;
	v13 =	vadd.s32 v4, v55;
	v15 =	vld.idx.msk [tilespmem:v15+s13+$0x0], $0xffff;
	[tilespmem:s5+$0xFFFFFCC0] =	vst v47  }
0x1ab: {  	v26 =	vadd.s32 s8, v10;
	v24 =	vadd.s32 s6, v10;
	v10 =	vadd.s32 v5, v29;
	v22 =	vld.idx.msk [tilespmem:v22+s13+$0x0], $0xffff;
	[tilespmem:s5+$0xFFFFFD40] =	vst v17  }
0x1ac: {  	v16 =	vadd.s32 v4, v56;
	v19 =	vld.idx.msk [tilespmem:v19+s13+$0x0], $0xffff;
	[tilespmem:s5+$0xFFFFFDC0] =	vst v20  }
0x1ad: {  	v17 =	vadd.s32 v4, v57;
	v14 =	vld.idx.msk [tilespmem:v51+s13+$0x0], $0xffff;
	[tilespmem:s5+$0xFFFFFEC0] =	vst v18  }
0x1ae: {  	v23 =	vadd.s32 v5, v54;
	v21 =	vld.idx.msk [tilespmem:v53+s13+$0x0], $0xffff;
	[tilespmem:s5+$0xFFFFFC50] =	vst v11  }
0x1af: {  	v20 =	vadd.s32 v4, v58;
	v13 =	vld.idx.msk [tilespmem:v13+s13+$0x0], $0xffff;
	[tilespmem:s5+$0xFFFFFE40] =	vst v15  }
0x1b0: {  	v41 =	vadd.s32 s29, v9;
	v39 =	vadd.s32 s10, v9;
	v63 =	vadd.s32 v5, v62;
	v10 =	vld.idx.msk [tilespmem:v10+s13+$0x0], $0xffff;
	[tilespmem:s5+$0xFFFFFFD0] =	vst v22  }
0x1b1: {  	v61 =	vadd.s32 s28, v9;
	v33 =	vadd.s32 s1, v9;
	v25 =	vadd.s32 v5, v24;
	[tilespmem:s5+$0xFFFFFF40] =	vst v19;
	v16 =	vld.idx.msk [tilespmem:v16+s13+$0x0], $0xffff  }
0x1b2: {  	v35 =	vadd.s32 s6, v9;
	v43 =	vadd.s32 s25, v9;
	v15 =	vadd.s32 v5, v60;
	v17 =	vld.idx.msk [tilespmem:v17+s13+$0x0], $0xffff;
	[tilespmem:s5+$0xFFFFFCD0] =	vst v14  }
0x1b3: {  	v32 =	vadd.s32 s0, v9;
	v37 =	vadd.s32 s8, v9;
	v9 =	vadd.s32 v6, v43;
	v22 =	vld.idx.msk [tilespmem:v23+s13+$0x0], $0xffff;
	[tilespmem:s5+$0xFFFFFD50] =	vst v21  }
0x1b4: {  	v19 =	vadd.s32 v5, v26;
	v20 =	vld.idx.msk [tilespmem:v20+s13+$0x0], $0xffff;
	[tilespmem:s5+$0xFFFFFDD0] =	vst v13  }
0x1b5: {  	v21 =	vadd.s32 v5, v27;
	v12 =	vld.idx.msk [tilespmem:v63+s13+$0x0], $0xffff;
	[tilespmem:s5+$0xFFFFFC60] =	vst v10  }
0x1b6: {  	v18 =	vadd.s32 v6, v61;
	v14 =	vld.idx.msk [tilespmem:v25+s13+$0x0], $0xffff;
	[tilespmem:s5+$0xFFFFFE50] =	vst v16  }
0x1b7: {  	v49 =	vadd.s32 s6, v8;
	v52 =	vadd.s32 s8, v8;
	v30 =	vadd.s32 v5, v28;
	v15 =	vld.idx.msk [tilespmem:v15+s13+$0x0], $0xffff;
	[tilespmem:s5+$0xFFFFFED0] =	vst v17  }
0x1b8: {  	v31 =	vadd.s32 s28, v8;
	v46 =	vadd.s32 s1, v8;
	v34 =	vadd.s32 v6, v33;
	v9 =	vld.idx.msk [tilespmem:v9+s13+$0x0], $0xffff;
	[tilespmem:s5+$0xFFFFFFE0] =	vst v22  }
0x1b9: {  	v36 =	vadd.s32 v6, v35;
	v55 =	vadd.s32 s10, v8;
	v45 =	vadd.s32 s0, v8;
	[tilespmem:s5+$0xFFFFFF50] =	vst v20;
	v19 =	vld.idx.msk [tilespmem:v19+s13+$0x0], $0xffff  }
0x1ba: {  	v57 =	vadd.s32 s29, v8;
	v8 =	vadd.s32 s25, v8;
	v17 =	vadd.s32 v6, v32;
	v21 =	vld.idx.msk [tilespmem:v21+s13+$0x0], $0xffff;
	[tilespmem:s5+$0xFFFFFD60] =	vst v12  }
0x1bb: {  	v8 =	vadd.s32 v7, v8;
	v18 =	vld.idx.msk [tilespmem:v18+s13+$0x0], $0xffff;
	[tilespmem:s5+$0xFFFFFDE0] =	vst v14  }
0x1bc: {  	v38 =	vadd.s32 v6, v37;
	v13 =	vld.idx.msk [tilespmem:v30+s13+$0x0], $0xffff;
	[tilespmem:s5+$0xFFFFFCE0] =	vst v15  }
0x1bd: {  	v40 =	vadd.s32 v6, v39;
	v11 =	vld.idx.msk [tilespmem:v34+s13+$0x0], $0xffff;
	[tilespmem:s5+$0xFFFFFC70] =	vst v9  }
0x1be: {  	v16 =	vadd.s32 v7, v31;
	v15 =	vld.idx.msk [tilespmem:v36+s13+$0x0], $0xffff;
	[tilespmem:s5+$0xFFFFFE60] =	vst v19  }
0x1bf: {  	v44 =	vadd.s32 v6, v41;
	v42 =	vld.idx.msk [tilespmem:v17+s13+$0x0], $0xffff;
	[tilespmem:s5+$0xFFFFFEE0] =	vst v21  }
0x1c0: {  	v48 =	vadd.s32 v7, v46;
	v8 =	vld.idx.msk [tilespmem:v8+s13+$0x0], $0xffff;
	[tilespmem:s5+$0xFFFFFFF0] =	vst v18  }
0x1c1: {  	v51 =	vadd.s32 v7, v49;
	[tilespmem:s5+$0xFFFFFF60] =	vst v13;
	v47 =	vld.idx.msk [tilespmem:v38+s13+$0x0], $0xffff  }
0x1c2: {  	v19 =	vadd.s32 v7, v45;
	v50 =	vld.idx.msk [tilespmem:v40+s13+$0x0], $0xffff;
	[tilespmem:s5+$0xFFFFFD70] =	vst v11  }
0x1c3: {  	v54 =	vadd.s32 v7, v52;
	v16 =	vld.idx.msk [tilespmem:v16+s13+$0x0], $0xffff;
	[tilespmem:s5+$0xFFFFFDF0] =	vst v15  }
0x1c4: {  	v56 =	vadd.s32 v7, v55;
	v53 =	vld.idx.msk [tilespmem:v44+s13+$0x0], $0xffff;
	[tilespmem:s5+$0xFFFFFCF0] =	vst v42  }
0x1c5: {  	v59 =	vadd.s32 v7, v57;
	v60 =	vld.idx.msk [tilespmem:v48+s13+$0x0], $0xffff;
	[tilespmem:s5+$0xFFFFFC80] =	vst v8  }
0x1c6: {  	v12 =	vld.idx.msk [tilespmem:v51+s13+$0x0], $0xffff;
	[tilespmem:s5+$0xFFFFFE70] =	vst v47  }
0x1c7: {  	v58 =	vld.idx.msk [tilespmem:v19+s13+$0x0], $0xffff;
	[tilespmem:s5+$0xFFFFFEF0] =	vst v50  }
0x1c8: {  	[tilespmem:s5+$0x0] =	vst v16;
	v61 =	vld.idx.msk [tilespmem:v54+s13+$0x0], $0xffff  }
0x1c9: {  	[tilespmem:s5+$0xFFFFFF70] =	vst v53;
	v62 =	vld.idx.msk [tilespmem:v56+s13+$0x0], $0xffff  }
0x1ca: {  	s23 =	sadd.s32 $0x1, s23;
	v63 =	vld.idx.msk [tilespmem:v59+s13+$0x0], $0xffff;
	[tilespmem:s5+$0xFFFFFD80] =	vst v60  }
0x1cb: {  	p0 =	sne.s32 s23, $0x19;
	[tilespmem:s5+$0xFFFFFE00] =	vst v12  }
.Ltmp5:
0x1cc: {  	s31 =	sshll.u32 s24, $0x12;
	[tilespmem:s5+$0xFFFFFD00] =	vst v58;
	(pc) =	sbr.rel @p0 .LBB2_2-.Ltmp5, $4  }
0x1cd: {  	s0 =	sor.u32 s7, s31;
	[tilespmem:s5+$0xFFFFFE80] =	vst v61  }
0x1ce: {  	s0 =	sshrl.u32 s0, $0x3;
	[tilespmem:s5+$0xFFFFFF00] =	vst v62  }
0x1cf: {  	s0 =	sadd.s32 s2, s0;
	[tilespmem:s5+$0xFFFFFF80] =	vst v63  }
0x1d0: {  	[hbm4b:s0+s15] =	stream.strided.scatter [tilespmem:s20], [sflag:$0x4], $0x2000, s16, s15, $0x38;
	[tilespmem:$0xF800] =	vst v63  }
0x1d1: {  	_ =	swait.ge [sflag:s21], $0x2000  }
0x1d2: {  	[sflag:s21] =	ssyncset.done $0x0  }
0x1d3: {  	[sflag:s21] =	ssyncadd.s32 $0xFFFFE000  }
0x1d4: {  	_ =	swait.ge [sflag:s19], $0x2000  }
0x1d5: {  	s22 =	sadd.s32 $0x1, s22;
	s0 =	rddreg [dreg:$0x5]  }
0x1d6: {  	p0 =	sne.s32 s22, s0  }
.Ltmp6:
0x1d7: {  	_ = 	snop;
	(pc) =	sbr.rel @p0 .LBB2_1-.Ltmp6, $3  }
0x1d8: {  	_ =	sdelay $0x1  }
0x1d9: {  	[sflag:s19] =	ssyncset.done $0x0  }
0x1da: {  	[sflag:s19] =	ssyncadd.s32 $0xFFFFE000  }
0x1db: {  	_ =	sfence.sel $0x180000  }
0x1dc: {  	[bflag:$0x0] =	sbarrier.arrive $0xFFFF  }
0x1dd: {  	_ =	strace $0x90000047  }
0x1de: {  	s0 =	stileid.u32;
	[bflag:$0x2] =	sbarrier.arrive $0xFFFF  }
0x1df: {  	p0 =	sne.s32 s0, $0x0;
	s0 =	rddreg [dreg:$0x2]  }
0x1e0: {  	s0 =	sadd.s32 @!p0 $0x100000, s0  }
0x1e1: {  	[sflag:s0] =	ssyncadd.tile.s32 @!p0 $0x1;
	_ =	shalt  }
.Lfunc_end2:
_tile_overlayer_lowered:
.L_overlay_start_2:
0x1e2: {  	(tag) =	ssettag $0x2  }
0x1e3: {  	s0 =	rddreg [dreg:$0x0];
	s2 =	stileid.u32  }
0x1e4: {  	s1 =	rddreg [dreg:$0x1];
	p0 =	sne.s32 s2, $0x0  }
0x1e5: {  	s3 =	rddreg [dreg:$0x2];
	[bflag:$0x3] =	sbarrier.arrive $0xFFFF;
	s2 =	simm.s32 @!p0 $0x1C05  }
0x1e6: {  	[timem:s3], [sflag:s2] =	dma.local @!p0 [hbm:s0], s1  }
0x1e7: {  	s0 =	simm.s32 @!p0 $0x5  }
0x1e8: {  	_ =	swait.ge @!p0 [sflag:s0], s1  }
0x1e9: {  	s1 =	ssub.s32 @!p0 $0x0, s1;
	[sflag:s0] =	ssyncset.done @!p0 $0x0  }
0x1ea: {  	[sflag:s0] =	ssyncadd.s32 @!p0 s1  }
0x1eb: {  	[bflag:$0x3] =	sbarrier.arrive $0xFFFF  }
0x1ec: {  	_ =	shalt  }

</sc_bundles>
